<compile_context>
chip_gen: v7x
topology: tpu7x:2x2x1
jax: 0.10.2.dev20260603
libtpu: 0.0.44.dev20260713+nightly
codegen_flags: <defaults>
</compile_context>

<pallas_src>
import functools

import jax
import jax.numpy as jnp
from jax import lax
from jax.experimental import pallas as pl
from jax.experimental.pallas import tpu as pltpu
from jax.experimental.pallas import tpu_sc as plsc

N = 8192
NN = N * N
NW = 32
ROWS_PER_W = N // NW
CHUNK = 2048
LANES = 16


def _tri(i):
    return i * N - (i * (i - 1)) // 2


def _sc_body(in_hbm, out_hbm, rowbuf, runbuf):
    wid = lax.axis_index("s") * 2 + lax.axis_index("c")

    def per_row(it, carry):
        r = wid + NW * it
        pltpu.sync_copy(in_hbm.at[pl.ds(r * N, N)], rowbuf.at[pl.ds(0, N)])

        k0 = (r * (r + 1)) // 2

        def bs(_, lohi):
            lo, hi = lohi
            mid = (lo + hi) // 2
            ge = _tri(mid) <= k0
            return jnp.where(ge, mid, lo), jnp.where(ge, hi, mid)

        def bs1(_, lohi):
            lo, hi = lohi
            mid = (lo + hi) // 2
            ge = _tri(mid) <= k0 + r
            return jnp.where(ge, mid, lo), jnp.where(ge, hi, mid)

        i0, _ = lax.fori_loop(0, 13, bs, (jnp.int32(0), jnp.int32(N)))
        j0 = i0 + (k0 - _tri(i0))
        i1, _ = lax.fori_loop(0, 13, bs1, (jnp.int32(0), jnp.int32(N)))
        nruns = i1 - i0 + 1

        def run_body(_, state):
            i, j, d = state
            ln = jnp.minimum(N - j, (r + 1) - d)
            s = i * N + j
            a = jnp.minimum((s // 8) * 8, NN - CHUNK)
            h = s - a
            ct = (h + ln + (CHUNK - 1)) // CHUNK

            def chunk(q, c2):
                pltpu.sync_copy(in_hbm.at[pl.ds(a + q * CHUNK, CHUNK)],
                                runbuf.at[pl.ds(q * CHUNK, CHUNK)])
                return c2

            lax.fori_loop(0, ct, chunk, 0)

            nt = (ln + (LANES - 1)) // LANES
            lanes = lax.iota(jnp.int32, LANES)

            def merge(t, c2):
                t16 = t * LANES
                vals = runbuf[pl.ds(h + t16, LANES)]
                old = rowbuf[pl.ds(d + t16, LANES)]
                keep = lanes < (ln - t16)
                rowbuf[pl.ds(d + t16, LANES)] = jnp.where(keep, vals, old)
                return c2

            lax.fori_loop(0, nt, merge, 0)
            return i + 1, i + 1, d + ln

        lax.fori_loop(0, nruns, run_body, (i0, j0, jnp.int32(0)))

        pltpu.sync_copy(rowbuf.at[pl.ds(0, N)], out_hbm.at[pl.ds(r * N, N)])
        return carry

    lax.fori_loop(0, ROWS_PER_W, per_row, jnp.int32(0))


@functools.partial(jax.jit, donate_argnums=())
def _sc_build(x_flat):
    mesh = plsc.VectorSubcoreMesh(core_axis_name="c", subcore_axis_name="s")
    f = pl.kernel(
        _sc_body,
        mesh=mesh,
        out_type=jax.ShapeDtypeStruct((NN,), jnp.float32),
        scratch_types=[
            pltpu.VMEM((N + 32,), jnp.float32),
            pltpu.VMEM((N + CHUNK + 32,), jnp.float32),
        ],
    )
    return f(x_flat)


def kernel(upper_tri_values):
    x = upper_tri_values.reshape(-1)
    return _sc_build(x).reshape(N, N)

# --- scband reference (transcript-rebuilt; emitter-appended) ---
"""Pipeline reference for scband-symmetric-matrix-layer-89970974917162 (READ-ONLY COPY).

The authoritative reference and input builder live on the scoring server;
editing this copy changes nothing except your own understanding.
"""

import jax, jax.numpy as jnp
import numpy as np

SIZE = 8192

def setup_inputs(seed: int = 0) -> dict:
    key = jax.random.key(seed)
    upper_tri_values = jax.random.normal(key, (SIZE, SIZE), dtype=jnp.float32)
    return {"upper_tri_values": upper_tri_values}

def reference(upper_tri_values):
    n = upper_tri_values.shape[0]
    # torch.triu(ones, diagonal=0).bool() -> True positions in row-major order == np.triu_indices order
    iu_r, iu_c = np.triu_indices(n)
    # mask.transpose(0,1) True positions in row-major order == np.tril_indices order
    il_r, il_c = np.tril_indices(n)
    # upper_tri = masked_select(mask).view(-1): row-major gather of upper-tri values
    upper_tri = upper_tri_values[iu_r, iu_c]
    symmetric_matrix = jnp.zeros((n, n), dtype=upper_tri_values.dtype)
    # symmetric_matrix[mask] = upper_tri  (scatter-overwrite, row-major order)
    symmetric_matrix = symmetric_matrix.at[iu_r, iu_c].set(upper_tri)
    # symmetric_matrix[mask.T] = upper_tri (second scatter-overwrite; diagonal gets
    # overwritten by the tril-ordered value, exactly as in the torch code)
    symmetric_matrix = symmetric_matrix.at[il_r, il_c].set(upper_tri)
    return symmetric_matrix

if __name__ == "__main__":
    import jax
    _d = setup_inputs()
    print(jax.jit(kernel)(*tuple(_d.values())))

</pallas_src>

<mosaic_0001>
#map = affine_map<(d0, d1) -> (0)>
module attributes {stable_mosaic.version = 14 : i64} {
  func.func @_sc_body(%arg0: i32, %arg1: i32, %arg2: memref<67108864xf32, #tpu.memory_space<hbm>>, %arg3: memref<67108864xf32, #tpu.memory_space<hbm>>, %arg4: memref<8224xf32, #tpu.memory_space<vmem>>, %arg5: memref<10272xf32, #tpu.memory_space<vmem>>) attributes {dimension_semantics = [#tpu.dimension_semantics<core_parallel>, #tpu.dimension_semantics<subcore_parallel>], iteration_bounds = array<i64: 2, 16>, scalar_prefetch = 0 : i64, scratch_operands = 2 : i64, tpu.core_type = #tpu.core_type<sc_vector_subcore>, window_params = [{transform_indices = #map}, {transform_indices = #map}]} {
    %mul3A = arith.constant 2 : i32
    %mul3A_0 = arith.muli %arg1, %mul3A : i32
    %add3A = arith.addi %mul3A_0, %arg0 : i32
    %scan3A = arith.constant 0 : i32
    %scan3A_1 = arith.constant 0 : i32
    %scan3A_2 = arith.constant 256 : i32
    %scan3A_3 = arith.addi %scan3A_1, %scan3A_2 : i32
    %scan3A_4 = arith.constant 1 : i32
    scf.for %scan3A_6 = %scan3A_1 to %scan3A_3 step %scan3A_4  : i32 {
      %mul3A_7 = arith.constant 32 : i32
      %mul3A_8 = arith.muli %mul3A_7, %scan3A_6 : i32
      %add3A_9 = arith.addi %add3A, %mul3A_8 : i32
      %mul3A_10 = arith.constant 8192 : i32
      %mul3A_11 = arith.muli %add3A_9, %mul3A_10 : i32
      "tpu.region"() ({
        %run_scoped3A = tpu.sem_alloc : memref<!tpu.dma_semaphore, #tpu.memory_space<semaphore_mem>>
        %dma_start3A = arith.constant 0 : i32
        %dma_start3A_95 = tpu.memref_slice %arg4[%dma_start3A] : memref<8224xf32, #tpu.memory_space<vmem>> -> memref<8192xf32, #tpu.memory_space<vmem>>
        %dma_start3A_96 = tpu.memref_slice %arg2[%mul3A_11] : memref<67108864xf32, #tpu.memory_space<hbm>> -> memref<8192xf32, #tpu.memory_space<hbm>>
        %dma_start3A_97 = arith.constant 0 : i32
        %dma_start3A_98 = tpu.memref_slice %arg4[%dma_start3A_97] : memref<8224xf32, #tpu.memory_space<vmem>> -> memref<8192xf32, #tpu.memory_space<vmem>>
        %dma_start3A_99 = tpu.memref_slice %arg2[%mul3A_11] : memref<67108864xf32, #tpu.memory_space<hbm>> -> memref<8192xf32, #tpu.memory_space<hbm>>
        tpu.enqueue_dma source(%dma_start3A_99 : memref<8192xf32, #tpu.memory_space<hbm>>) target(%dma_start3A_98 : memref<8192xf32, #tpu.memory_space<vmem>>) target_semaphore(%run_scoped3A : memref<!tpu.dma_semaphore, #tpu.memory_space<semaphore_mem>>)
        %dma_wait3A = arith.constant 0 : i32
        %dma_wait3A_100 = tpu.memref_slice %arg4[%dma_wait3A] : memref<8224xf32, #tpu.memory_space<vmem>> -> memref<8192xf32, #tpu.memory_space<vmem>>
        %dma_wait3A_101 = tpu.memref_slice %arg2[%mul3A_11] : memref<67108864xf32, #tpu.memory_space<hbm>> -> memref<8192xf32, #tpu.memory_space<hbm>>
        %dma_wait3A_102 = arith.constant 0 : i32
        %dma_wait3A_103 = tpu.memref_slice %arg4[%dma_wait3A_102] : memref<8224xf32, #tpu.memory_space<vmem>> -> memref<8192xf32, #tpu.memory_space<vmem>>
        %dma_wait3A_104 = tpu.memref_slice %arg2[%mul3A_11] : memref<67108864xf32, #tpu.memory_space<hbm>> -> memref<8192xf32, #tpu.memory_space<hbm>>
        tpu.wait_dma2 semaphore(%run_scoped3A : memref<!tpu.dma_semaphore, #tpu.memory_space<semaphore_mem>>) src(%dma_wait3A_104 : memref<8192xf32, #tpu.memory_space<hbm>>) dst(%dma_wait3A_103 : memref<8192xf32, #tpu.memory_space<vmem>>)
        tpu.yield
      }) : () -> ()
      %add3A_12 = arith.constant 1 : i32
      %add3A_13 = arith.addi %add3A_9, %add3A_12 : i32
      %mul3A_14 = arith.muli %add3A_9, %add3A_13 : i32
      %jit3A = arith.constant 2 : i32
      %div3A = arith.divsi %mul3A_14, %jit3A : i32
      %sign3A = arith.constant 0 : i32
      %sign3A_15 = arith.cmpi sgt, %mul3A_14, %sign3A : i32
      %sign3A_16 = arith.extui %sign3A_15 : i1 to i32
      %sign3A_17 = arith.constant 0 : i32
      %sign3A_18 = arith.cmpi slt, %mul3A_14, %sign3A_17 : i32
      %sign3A_19 = arith.extui %sign3A_18 : i1 to i32
      %sign3A_20 = arith.subi %sign3A_16, %sign3A_19 : i32
      %sign3A_21 = arith.constant 0 : i32
      %sign3A_22 = arith.cmpi sgt, %jit3A, %sign3A_21 : i32
      %sign3A_23 = arith.extui %sign3A_22 : i1 to i32
      %sign3A_24 = arith.constant 0 : i32
      %sign3A_25 = arith.cmpi slt, %jit3A, %sign3A_24 : i32
      %sign3A_26 = arith.extui %sign3A_25 : i1 to i32
      %sign3A_27 = arith.subi %sign3A_23, %sign3A_26 : i32
      %ne3A = arith.cmpi ne, %sign3A_20, %sign3A_27 : i32
      %rem3A = arith.remsi %mul3A_14, %jit3A : i32
      %ne3A_28 = arith.constant 0 : i32
      %ne3A_29 = arith.cmpi ne, %rem3A, %ne3A_28 : i32
      %and3A = arith.andi %ne3A, %ne3A_29 : i1
      %sub3A = arith.constant 1 : i32
      %sub3A_30 = arith.subi %div3A, %sub3A : i32
      %select_n3A = arith.select %and3A, %sub3A_30, %div3A : i32
      %scan3A_31 = arith.constant 0 : i32
      %scan3A_32 = arith.constant 8192 : i32
      %scan3A_33 = arith.constant 0 : i32
      %scan3A_34 = arith.constant 13 : i32
      %scan3A_35 = arith.addi %scan3A_33, %scan3A_34 : i32
      %scan3A_36 = arith.constant 1 : i32
      %scan3A_37:2 = scf.for %scan3A_95 = %scan3A_33 to %scan3A_35 step %scan3A_36 iter_args(%scan3A_96 = %scan3A_31, %scan3A_97 = %scan3A_32) -> (i32, i32)  : i32 {
        %add3A_98 = arith.addi %scan3A_96, %scan3A_97 : i32
        %jit3A_99 = arith.constant 2 : i32
        %div3A_100 = arith.divsi %add3A_98, %jit3A_99 : i32
        %sign3A_101 = arith.constant 0 : i32
        %sign3A_102 = arith.cmpi sgt, %add3A_98, %sign3A_101 : i32
        %sign3A_103 = arith.extui %sign3A_102 : i1 to i32
        %sign3A_104 = arith.constant 0 : i32
        %sign3A_105 = arith.cmpi slt, %add3A_98, %sign3A_104 : i32
        %sign3A_106 = arith.extui %sign3A_105 : i1 to i32
        %sign3A_107 = arith.subi %sign3A_103, %sign3A_106 : i32
        %sign3A_108 = arith.constant 0 : i32
        %sign3A_109 = arith.cmpi sgt, %jit3A_99, %sign3A_108 : i32
        %sign3A_110 = arith.extui %sign3A_109 : i1 to i32
        %sign3A_111 = arith.constant 0 : i32
        %sign3A_112 = arith.cmpi slt, %jit3A_99, %sign3A_111 : i32
        %sign3A_113 = arith.extui %sign3A_112 : i1 to i32
        %sign3A_114 = arith.subi %sign3A_110, %sign3A_113 : i32
        %ne3A_115 = arith.cmpi ne, %sign3A_107, %sign3A_114 : i32
        %rem3A_116 = arith.remsi %add3A_98, %jit3A_99 : i32
        %ne3A_117 = arith.constant 0 : i32
        %ne3A_118 = arith.cmpi ne, %rem3A_116, %ne3A_117 : i32
        %and3A_119 = arith.andi %ne3A_115, %ne3A_118 : i1
        %sub3A_120 = arith.constant 1 : i32
        %sub3A_121 = arith.subi %div3A_100, %sub3A_120 : i32
        %select_n3A_122 = arith.select %and3A_119, %sub3A_121, %div3A_100 : i32
        %mul3A_123 = arith.constant 8192 : i32
        %mul3A_124 = arith.muli %select_n3A_122, %mul3A_123 : i32
        %sub3A_125 = arith.constant 1 : i32
        %sub3A_126 = arith.subi %select_n3A_122, %sub3A_125 : i32
        %mul3A_127 = arith.muli %select_n3A_122, %sub3A_126 : i32
        %jit3A_128 = arith.constant 2 : i32
        %div3A_129 = arith.divsi %mul3A_127, %jit3A_128 : i32
        %sign3A_130 = arith.constant 0 : i32
        %sign3A_131 = arith.cmpi sgt, %mul3A_127, %sign3A_130 : i32
        %sign3A_132 = arith.extui %sign3A_131 : i1 to i32
        %sign3A_133 = arith.constant 0 : i32
        %sign3A_134 = arith.cmpi slt, %mul3A_127, %sign3A_133 : i32
        %sign3A_135 = arith.extui %sign3A_134 : i1 to i32
        %sign3A_136 = arith.subi %sign3A_132, %sign3A_135 : i32
        %sign3A_137 = arith.constant 0 : i32
        %sign3A_138 = arith.cmpi sgt, %jit3A_128, %sign3A_137 : i32
        %sign3A_139 = arith.extui %sign3A_138 : i1 to i32
        %sign3A_140 = arith.constant 0 : i32
        %sign3A_141 = arith.cmpi slt, %jit3A_128, %sign3A_140 : i32
        %sign3A_142 = arith.extui %sign3A_141 : i1 to i32
        %sign3A_143 = arith.subi %sign3A_139, %sign3A_142 : i32
        %ne3A_144 = arith.cmpi ne, %sign3A_136, %sign3A_143 : i32
        %rem3A_145 = arith.remsi %mul3A_127, %jit3A_128 : i32
        %ne3A_146 = arith.constant 0 : i32
        %ne3A_147 = arith.cmpi ne, %rem3A_145, %ne3A_146 : i32
        %and3A_148 = arith.andi %ne3A_144, %ne3A_147 : i1
        %sub3A_149 = arith.constant 1 : i32
        %sub3A_150 = arith.subi %div3A_129, %sub3A_149 : i32
        %select_n3A_151 = arith.select %and3A_148, %sub3A_150, %div3A_129 : i32
        %sub3A_152 = arith.subi %mul3A_124, %select_n3A_151 : i32
        %le3A = arith.cmpi sle, %sub3A_152, %select_n3A : i32
        %select_n3A_153 = arith.select %le3A, %select_n3A_122, %scan3A_96 : i32
        %select_n3A_154 = arith.select %le3A, %scan3A_97, %select_n3A_122 : i32
        scf.yield %select_n3A_153, %select_n3A_154 : i32, i32
      }
      %scan3A_38 = arith.constant 13 : i32
      %mul3A_39 = arith.constant 8192 : i32
      %mul3A_40 = arith.muli %scan3A_37#0, %mul3A_39 : i32
      %sub3A_41 = arith.constant 1 : i32
      %sub3A_42 = arith.subi %scan3A_37#0, %sub3A_41 : i32
      %mul3A_43 = arith.muli %scan3A_37#0, %sub3A_42 : i32
      %jit3A_44 = arith.constant 2 : i32
      %div3A_45 = arith.divsi %mul3A_43, %jit3A_44 : i32
      %sign3A_46 = arith.constant 0 : i32
      %sign3A_47 = arith.cmpi sgt, %mul3A_43, %sign3A_46 : i32
      %sign3A_48 = arith.extui %sign3A_47 : i1 to i32
      %sign3A_49 = arith.constant 0 : i32
      %sign3A_50 = arith.cmpi slt, %mul3A_43, %sign3A_49 : i32
      %sign3A_51 = arith.extui %sign3A_50 : i1 to i32
      %sign3A_52 = arith.subi %sign3A_48, %sign3A_51 : i32
      %sign3A_53 = arith.constant 0 : i32
      %sign3A_54 = arith.cmpi sgt, %jit3A_44, %sign3A_53 : i32
      %sign3A_55 = arith.extui %sign3A_54 : i1 to i32
      %sign3A_56 = arith.constant 0 : i32
      %sign3A_57 = arith.cmpi slt, %jit3A_44, %sign3A_56 : i32
      %sign3A_58 = arith.extui %sign3A_57 : i1 to i32
      %sign3A_59 = arith.subi %sign3A_55, %sign3A_58 : i32
      %ne3A_60 = arith.cmpi ne, %sign3A_52, %sign3A_59 : i32
      %rem3A_61 = arith.remsi %mul3A_43, %jit3A_44 : i32
      %ne3A_62 = arith.constant 0 : i32
      %ne3A_63 = arith.cmpi ne, %rem3A_61, %ne3A_62 : i32
      %and3A_64 = arith.andi %ne3A_60, %ne3A_63 : i1
      %sub3A_65 = arith.constant 1 : i32
      %sub3A_66 = arith.subi %div3A_45, %sub3A_65 : i32
      %select_n3A_67 = arith.select %and3A_64, %sub3A_66, %div3A_45 : i32
      %sub3A_68 = arith.subi %mul3A_40, %select_n3A_67 : i32
      %sub3A_69 = arith.subi %select_n3A, %sub3A_68 : i32
      %add3A_70 = arith.addi %scan3A_37#0, %sub3A_69 : i32
      %scan3A_71 = arith.constant 0 : i32
      %scan3A_72 = arith.constant 8192 : i32
      %scan3A_73 = arith.constant 0 : i32
      %scan3A_74 = arith.constant 13 : i32
      %scan3A_75 = arith.addi %scan3A_73, %scan3A_74 : i32
      %scan3A_76 = arith.constant 1 : i32
      %scan3A_77:2 = scf.for %scan3A_95 = %scan3A_73 to %scan3A_75 step %scan3A_76 iter_args(%scan3A_96 = %scan3A_71, %scan3A_97 = %scan3A_72) -> (i32, i32)  : i32 {
        %add3A_98 = arith.addi %scan3A_96, %scan3A_97 : i32
        %jit3A_99 = arith.constant 2 : i32
        %div3A_100 = arith.divsi %add3A_98, %jit3A_99 : i32
        %sign3A_101 = arith.constant 0 : i32
        %sign3A_102 = arith.cmpi sgt, %add3A_98, %sign3A_101 : i32
        %sign3A_103 = arith.extui %sign3A_102 : i1 to i32
        %sign3A_104 = arith.constant 0 : i32
        %sign3A_105 = arith.cmpi slt, %add3A_98, %sign3A_104 : i32
        %sign3A_106 = arith.extui %sign3A_105 : i1 to i32
        %sign3A_107 = arith.subi %sign3A_103, %sign3A_106 : i32
        %sign3A_108 = arith.constant 0 : i32
        %sign3A_109 = arith.cmpi sgt, %jit3A_99, %sign3A_108 : i32
        %sign3A_110 = arith.extui %sign3A_109 : i1 to i32
        %sign3A_111 = arith.constant 0 : i32
        %sign3A_112 = arith.cmpi slt, %jit3A_99, %sign3A_111 : i32
        %sign3A_113 = arith.extui %sign3A_112 : i1 to i32
        %sign3A_114 = arith.subi %sign3A_110, %sign3A_113 : i32
        %ne3A_115 = arith.cmpi ne, %sign3A_107, %sign3A_114 : i32
        %rem3A_116 = arith.remsi %add3A_98, %jit3A_99 : i32
        %ne3A_117 = arith.constant 0 : i32
        %ne3A_118 = arith.cmpi ne, %rem3A_116, %ne3A_117 : i32
        %and3A_119 = arith.andi %ne3A_115, %ne3A_118 : i1
        %sub3A_120 = arith.constant 1 : i32
        %sub3A_121 = arith.subi %div3A_100, %sub3A_120 : i32
        %select_n3A_122 = arith.select %and3A_119, %sub3A_121, %div3A_100 : i32
        %mul3A_123 = arith.constant 8192 : i32
        %mul3A_124 = arith.muli %select_n3A_122, %mul3A_123 : i32
        %sub3A_125 = arith.constant 1 : i32
        %sub3A_126 = arith.subi %select_n3A_122, %sub3A_125 : i32
        %mul3A_127 = arith.muli %select_n3A_122, %sub3A_126 : i32
        %jit3A_128 = arith.constant 2 : i32
        %div3A_129 = arith.divsi %mul3A_127, %jit3A_128 : i32
        %sign3A_130 = arith.constant 0 : i32
        %sign3A_131 = arith.cmpi sgt, %mul3A_127, %sign3A_130 : i32
        %sign3A_132 = arith.extui %sign3A_131 : i1 to i32
        %sign3A_133 = arith.constant 0 : i32
        %sign3A_134 = arith.cmpi slt, %mul3A_127, %sign3A_133 : i32
        %sign3A_135 = arith.extui %sign3A_134 : i1 to i32
        %sign3A_136 = arith.subi %sign3A_132, %sign3A_135 : i32
        %sign3A_137 = arith.constant 0 : i32
        %sign3A_138 = arith.cmpi sgt, %jit3A_128, %sign3A_137 : i32
        %sign3A_139 = arith.extui %sign3A_138 : i1 to i32
        %sign3A_140 = arith.constant 0 : i32
        %sign3A_141 = arith.cmpi slt, %jit3A_128, %sign3A_140 : i32
        %sign3A_142 = arith.extui %sign3A_141 : i1 to i32
        %sign3A_143 = arith.subi %sign3A_139, %sign3A_142 : i32
        %ne3A_144 = arith.cmpi ne, %sign3A_136, %sign3A_143 : i32
        %rem3A_145 = arith.remsi %mul3A_127, %jit3A_128 : i32
        %ne3A_146 = arith.constant 0 : i32
        %ne3A_147 = arith.cmpi ne, %rem3A_145, %ne3A_146 : i32
        %and3A_148 = arith.andi %ne3A_144, %ne3A_147 : i1
        %sub3A_149 = arith.constant 1 : i32
        %sub3A_150 = arith.subi %div3A_129, %sub3A_149 : i32
        %select_n3A_151 = arith.select %and3A_148, %sub3A_150, %div3A_129 : i32
        %sub3A_152 = arith.subi %mul3A_124, %select_n3A_151 : i32
        %add3A_153 = arith.addi %select_n3A, %add3A_9 : i32
        %le3A = arith.cmpi sle, %sub3A_152, %add3A_153 : i32
        %select_n3A_154 = arith.select %le3A, %select_n3A_122, %scan3A_96 : i32
        %select_n3A_155 = arith.select %le3A, %scan3A_97, %select_n3A_122 : i32
        scf.yield %select_n3A_154, %select_n3A_155 : i32, i32
      }
      %scan3A_78 = arith.constant 13 : i32
      %sub3A_79 = arith.subi %scan3A_77#0, %scan3A_37#0 : i32
      %add3A_80 = arith.constant 1 : i32
      %add3A_81 = arith.addi %sub3A_79, %add3A_80 : i32
      %while3A = arith.constant 0 : i32
      %while3A_82 = arith.constant 0 : i32
      %while3A_83 = arith.subi %add3A_81, %while3A : i32
      %while3A_84 = arith.addi %while3A, %while3A_83 : i32
      %while3A_85 = arith.constant 1 : i32
      %while3A_86 = arith.divsi %while3A_83, %while3A_85 : i32
      %while3A_87 = arith.muli %while3A_86, %while3A_85 : i32
      %while3A_88 = arith.addi %while3A, %while3A_87 : i32
      %while3A_89 = arith.constant 1 : i32
      %while3A_90:3 = scf.for %while3A_95 = %while3A to %while3A_88 step %while3A_89 iter_args(%while3A_96 = %scan3A_37#0, %while3A_97 = %add3A_70, %while3A_98 = %while3A_82) -> (i32, i32, i32)  : i32 {
        %sub3A_99 = arith.constant 8192 : i32
        %sub3A_100 = arith.subi %sub3A_99, %while3A_97 : i32
        %add3A_101 = arith.constant 1 : i32
        %add3A_102 = arith.addi %add3A_9, %add3A_101 : i32
        %sub3A_103 = arith.subi %add3A_102, %while3A_98 : i32
        %min3A = arith.minsi %sub3A_100, %sub3A_103 : i32
        %mul3A_104 = arith.constant 8192 : i32
        %mul3A_105 = arith.muli %while3A_96, %mul3A_104 : i32
        %add3A_106 = arith.addi %mul3A_105, %while3A_97 : i32
        %jit3A_107 = arith.constant 8 : i32
        %div3A_108 = arith.divsi %add3A_106, %jit3A_107 : i32
        %sign3A_109 = arith.constant 0 : i32
        %sign3A_110 = arith.cmpi sgt, %add3A_106, %sign3A_109 : i32
        %sign3A_111 = arith.extui %sign3A_110 : i1 to i32
        %sign3A_112 = arith.constant 0 : i32
        %sign3A_113 = arith.cmpi slt, %add3A_106, %sign3A_112 : i32
        %sign3A_114 = arith.extui %sign3A_113 : i1 to i32
        %sign3A_115 = arith.subi %sign3A_111, %sign3A_114 : i32
        %sign3A_116 = arith.constant 0 : i32
        %sign3A_117 = arith.cmpi sgt, %jit3A_107, %sign3A_116 : i32
        %sign3A_118 = arith.extui %sign3A_117 : i1 to i32
        %sign3A_119 = arith.constant 0 : i32
        %sign3A_120 = arith.cmpi slt, %jit3A_107, %sign3A_119 : i32
        %sign3A_121 = arith.extui %sign3A_120 : i1 to i32
        %sign3A_122 = arith.subi %sign3A_118, %sign3A_121 : i32
        %ne3A_123 = arith.cmpi ne, %sign3A_115, %sign3A_122 : i32
        %rem3A_124 = arith.remsi %add3A_106, %jit3A_107 : i32
        %ne3A_125 = arith.constant 0 : i32
        %ne3A_126 = arith.cmpi ne, %rem3A_124, %ne3A_125 : i32
        %and3A_127 = arith.andi %ne3A_123, %ne3A_126 : i1
        %sub3A_128 = arith.constant 1 : i32
        %sub3A_129 = arith.subi %div3A_108, %sub3A_128 : i32
        %select_n3A_130 = arith.select %and3A_127, %sub3A_129, %div3A_108 : i32
        %mul3A_131 = arith.constant 8 : i32
        %mul3A_132 = arith.muli %select_n3A_130, %mul3A_131 : i32
        %min3A_133 = arith.constant 67106816 : i32
        %min3A_134 = arith.minsi %mul3A_132, %min3A_133 : i32
        %sub3A_135 = arith.subi %add3A_106, %min3A_134 : i32
        %add3A_136 = arith.addi %sub3A_135, %min3A : i32
        %add3A_137 = arith.constant 2047 : i32
        %add3A_138 = arith.addi %add3A_136, %add3A_137 : i32
        %jit3A_139 = arith.constant 2048 : i32
        %div3A_140 = arith.divsi %add3A_138, %jit3A_139 : i32
        %sign3A_141 = arith.constant 0 : i32
        %sign3A_142 = arith.cmpi sgt, %add3A_138, %sign3A_141 : i32
        %sign3A_143 = arith.extui %sign3A_142 : i1 to i32
        %sign3A_144 = arith.constant 0 : i32
        %sign3A_145 = arith.cmpi slt, %add3A_138, %sign3A_144 : i32
        %sign3A_146 = arith.extui %sign3A_145 : i1 to i32
        %sign3A_147 = arith.subi %sign3A_143, %sign3A_146 : i32
        %sign3A_148 = arith.constant 0 : i32
        %sign3A_149 = arith.cmpi sgt, %jit3A_139, %sign3A_148 : i32
        %sign3A_150 = arith.extui %sign3A_149 : i1 to i32
        %sign3A_151 = arith.constant 0 : i32
        %sign3A_152 = arith.cmpi slt, %jit3A_139, %sign3A_151 : i32
        %sign3A_153 = arith.extui %sign3A_152 : i1 to i32
        %sign3A_154 = arith.subi %sign3A_150, %sign3A_153 : i32
        %ne3A_155 = arith.cmpi ne, %sign3A_147, %sign3A_154 : i32
        %rem3A_156 = arith.remsi %add3A_138, %jit3A_139 : i32
        %ne3A_157 = arith.constant 0 : i32
        %ne3A_158 = arith.cmpi ne, %rem3A_156, %ne3A_157 : i32
        %and3A_159 = arith.andi %ne3A_155, %ne3A_158 : i1
        %sub3A_160 = arith.constant 1 : i32
        %sub3A_161 = arith.subi %div3A_140, %sub3A_160 : i32
        %select_n3A_162 = arith.select %and3A_159, %sub3A_161, %div3A_140 : i32
        %while3A_163 = arith.constant 0 : i32
        %while3A_164 = arith.constant 0 : i32
        %while3A_165 = arith.subi %select_n3A_162, %while3A_164 : i32
        %while3A_166 = arith.addi %while3A_164, %while3A_165 : i32
        %while3A_167 = arith.constant 1 : i32
        %while3A_168 = arith.divsi %while3A_165, %while3A_167 : i32
        %while3A_169 = arith.muli %while3A_168, %while3A_167 : i32
        %while3A_170 = arith.addi %while3A_164, %while3A_169 : i32
        %while3A_171 = arith.constant 1 : i32
        scf.for %while3A_214 = %while3A_164 to %while3A_170 step %while3A_171  : i32 {
          %mul3A_215 = arith.constant 2048 : i32
          %mul3A_216 = arith.muli %while3A_214, %mul3A_215 : i32
          %add3A_217 = arith.addi %min3A_134, %mul3A_216 : i32
          %mul3A_218 = arith.constant 2048 : i32
          %mul3A_219 = arith.muli %while3A_214, %mul3A_218 : i32
          "tpu.region"() ({
            %run_scoped3A = tpu.sem_alloc : memref<!tpu.dma_semaphore, #tpu.memory_space<semaphore_mem>>
            %dma_start3A = tpu.memref_slice %arg5[%mul3A_219] : memref<10272xf32, #tpu.memory_space<vmem>> -> memref<2048xf32, #tpu.memory_space<vmem>>
            %dma_start3A_220 = tpu.memref_slice %arg2[%add3A_217] : memref<67108864xf32, #tpu.memory_space<hbm>> -> memref<2048xf32, #tpu.memory_space<hbm>>
            %dma_start3A_221 = tpu.memref_slice %arg5[%mul3A_219] : memref<10272xf32, #tpu.memory_space<vmem>> -> memref<2048xf32, #tpu.memory_space<vmem>>
            %dma_start3A_222 = tpu.memref_slice %arg2[%add3A_217] : memref<67108864xf32, #tpu.memory_space<hbm>> -> memref<2048xf32, #tpu.memory_space<hbm>>
            tpu.enqueue_dma source(%dma_start3A_222 : memref<2048xf32, #tpu.memory_space<hbm>>) target(%dma_start3A_221 : memref<2048xf32, #tpu.memory_space<vmem>>) target_semaphore(%run_scoped3A : memref<!tpu.dma_semaphore, #tpu.memory_space<semaphore_mem>>)
            %dma_wait3A = tpu.memref_slice %arg5[%mul3A_219] : memref<10272xf32, #tpu.memory_space<vmem>> -> memref<2048xf32, #tpu.memory_space<vmem>>
            %dma_wait3A_223 = tpu.memref_slice %arg2[%add3A_217] : memref<67108864xf32, #tpu.memory_space<hbm>> -> memref<2048xf32, #tpu.memory_space<hbm>>
            %dma_wait3A_224 = tpu.memref_slice %arg5[%mul3A_219] : memref<10272xf32, #tpu.memory_space<vmem>> -> memref<2048xf32, #tpu.memory_space<vmem>>
            %dma_wait3A_225 = tpu.memref_slice %arg2[%add3A_217] : memref<67108864xf32, #tpu.memory_space<hbm>> -> memref<2048xf32, #tpu.memory_space<hbm>>
            tpu.wait_dma2 semaphore(%run_scoped3A : memref<!tpu.dma_semaphore, #tpu.memory_space<semaphore_mem>>) src(%dma_wait3A_225 : memref<2048xf32, #tpu.memory_space<hbm>>) dst(%dma_wait3A_224 : memref<2048xf32, #tpu.memory_space<vmem>>)
            tpu.yield
          }) : () -> ()
        }
        %while3A_172 = arith.constant 1 : i32
        scf.for %while3A_214 = %while3A_170 to %while3A_166 step %while3A_172  : i32 {
          %mul3A_215 = arith.constant 2048 : i32
          %mul3A_216 = arith.muli %while3A_214, %mul3A_215 : i32
          %add3A_217 = arith.addi %min3A_134, %mul3A_216 : i32
          %mul3A_218 = arith.constant 2048 : i32
          %mul3A_219 = arith.muli %while3A_214, %mul3A_218 : i32
          "tpu.region"() ({
            %run_scoped3A = tpu.sem_alloc : memref<!tpu.dma_semaphore, #tpu.memory_space<semaphore_mem>>
            %dma_start3A = tpu.memref_slice %arg5[%mul3A_219] : memref<10272xf32, #tpu.memory_space<vmem>> -> memref<2048xf32, #tpu.memory_space<vmem>>
            %dma_start3A_220 = tpu.memref_slice %arg2[%add3A_217] : memref<67108864xf32, #tpu.memory_space<hbm>> -> memref<2048xf32, #tpu.memory_space<hbm>>
            %dma_start3A_221 = tpu.memref_slice %arg5[%mul3A_219] : memref<10272xf32, #tpu.memory_space<vmem>> -> memref<2048xf32, #tpu.memory_space<vmem>>
            %dma_start3A_222 = tpu.memref_slice %arg2[%add3A_217] : memref<67108864xf32, #tpu.memory_space<hbm>> -> memref<2048xf32, #tpu.memory_space<hbm>>
            tpu.enqueue_dma source(%dma_start3A_222 : memref<2048xf32, #tpu.memory_space<hbm>>) target(%dma_start3A_221 : memref<2048xf32, #tpu.memory_space<vmem>>) target_semaphore(%run_scoped3A : memref<!tpu.dma_semaphore, #tpu.memory_space<semaphore_mem>>)
            %dma_wait3A = tpu.memref_slice %arg5[%mul3A_219] : memref<10272xf32, #tpu.memory_space<vmem>> -> memref<2048xf32, #tpu.memory_space<vmem>>
            %dma_wait3A_223 = tpu.memref_slice %arg2[%add3A_217] : memref<67108864xf32, #tpu.memory_space<hbm>> -> memref<2048xf32, #tpu.memory_space<hbm>>
            %dma_wait3A_224 = tpu.memref_slice %arg5[%mul3A_219] : memref<10272xf32, #tpu.memory_space<vmem>> -> memref<2048xf32, #tpu.memory_space<vmem>>
            %dma_wait3A_225 = tpu.memref_slice %arg2[%add3A_217] : memref<67108864xf32, #tpu.memory_space<hbm>> -> memref<2048xf32, #tpu.memory_space<hbm>>
            tpu.wait_dma2 semaphore(%run_scoped3A : memref<!tpu.dma_semaphore, #tpu.memory_space<semaphore_mem>>) src(%dma_wait3A_225 : memref<2048xf32, #tpu.memory_space<hbm>>) dst(%dma_wait3A_224 : memref<2048xf32, #tpu.memory_space<vmem>>)
            tpu.yield
          }) : () -> ()
        }
        %add3A_173 = arith.constant 15 : i32
        %add3A_174 = arith.addi %min3A, %add3A_173 : i32
        %jit3A_175 = arith.constant 16 : i32
        %div3A_176 = arith.divsi %add3A_174, %jit3A_175 : i32
        %sign3A_177 = arith.constant 0 : i32
        %sign3A_178 = arith.cmpi sgt, %add3A_174, %sign3A_177 : i32
        %sign3A_179 = arith.extui %sign3A_178 : i1 to i32
        %sign3A_180 = arith.constant 0 : i32
        %sign3A_181 = arith.cmpi slt, %add3A_174, %sign3A_180 : i32
        %sign3A_182 = arith.extui %sign3A_181 : i1 to i32
        %sign3A_183 = arith.subi %sign3A_179, %sign3A_182 : i32
        %sign3A_184 = arith.constant 0 : i32
        %sign3A_185 = arith.cmpi sgt, %jit3A_175, %sign3A_184 : i32
        %sign3A_186 = arith.extui %sign3A_185 : i1 to i32
        %sign3A_187 = arith.constant 0 : i32
        %sign3A_188 = arith.cmpi slt, %jit3A_175, %sign3A_187 : i32
        %sign3A_189 = arith.extui %sign3A_188 : i1 to i32
        %sign3A_190 = arith.subi %sign3A_186, %sign3A_189 : i32
        %ne3A_191 = arith.cmpi ne, %sign3A_183, %sign3A_190 : i32
        %rem3A_192 = arith.remsi %add3A_174, %jit3A_175 : i32
        %ne3A_193 = arith.constant 0 : i32
        %ne3A_194 = arith.cmpi ne, %rem3A_192, %ne3A_193 : i32
        %and3A_195 = arith.andi %ne3A_191, %ne3A_194 : i1
        %sub3A_196 = arith.constant 1 : i32
        %sub3A_197 = arith.subi %div3A_176, %sub3A_196 : i32
        %select_n3A_198 = arith.select %and3A_195, %sub3A_197, %div3A_176 : i32
        %iota3A = tpu.iota {dimensions = array<i32: 0>} : vector<16xi32>
        %while3A_199 = arith.constant 0 : i32
        %while3A_200 = arith.constant 0 : i32
        %while3A_201 = arith.subi %select_n3A_198, %while3A_200 : i32
        %while3A_202 = arith.addi %while3A_200, %while3A_201 : i32
        %while3A_203 = arith.constant 1 : i32
        %while3A_204 = arith.divsi %while3A_201, %while3A_203 : i32
        %while3A_205 = arith.muli %while3A_204, %while3A_203 : i32
        %while3A_206 = arith.addi %while3A_200, %while3A_205 : i32
        %while3A_207 = arith.constant 1 : i32
        scf.for %while3A_214 = %while3A_200 to %while3A_206 step %while3A_207  : i32 {
          %mul3A_215 = arith.constant 16 : i32
          %mul3A_216 = arith.muli %while3A_214, %mul3A_215 : i32
          %add3A_217 = arith.addi %sub3A_135, %mul3A_216 : i32
          %get3A = arith.index_cast %add3A_217 : i32 to index
          %get3A_218 = tpu.vector_load %arg5[%get3A] {strides = array<i32>} : memref<10272xf32, #tpu.memory_space<vmem>>, vector<16xf32>,
          %get3A_219 = vector.shape_cast %get3A_218 : vector<16xf32> to vector<16xf32>
          %add3A_220 = arith.addi %while3A_98, %mul3A_216 : i32
          %get3A_221 = arith.index_cast %add3A_220 : i32 to index
          %get3A_222 = tpu.vector_load %arg4[%get3A_221] {strides = array<i32>} : memref<8224xf32, #tpu.memory_space<vmem>>, vector<16xf32>,
          %get3A_223 = vector.shape_cast %get3A_222 : vector<16xf32> to vector<16xf32>
          %sub3A_224 = arith.subi %min3A, %mul3A_216 : i32
          %lt3A = vector.broadcast %sub3A_224 : i32 to vector<16xi32>
          %lt3A_225 = arith.cmpi slt, %iota3A, %lt3A : vector<16xi32>
          %select_n3A_226 = arith.select %lt3A_225, %get3A_219, %get3A_223 : vector<16xi1>, vector<16xf32>
          %add3A_227 = arith.addi %while3A_98, %mul3A_216 : i32
          %swap3A = arith.index_cast %add3A_227 : i32 to index
          %swap3A_228 = tpu.vector_load %arg4[%swap3A] {strides = array<i32>} : memref<8224xf32, #tpu.memory_space<vmem>>, vector<16xf32>,
          %swap3A_229 = vector.shape_cast %swap3A_228 : vector<16xf32> to vector<16xf32>
          %swap3A_230 = vector.shape_cast %select_n3A_226 : vector<16xf32> to vector<16xf32>
          tpu.vector_store %arg4[%swap3A], %swap3A_230 {strides = array<i32>} : memref<8224xf32, #tpu.memory_space<vmem>>, vector<16xf32>,
        }
        %while3A_208 = arith.constant 1 : i32
        scf.for %while3A_214 = %while3A_206 to %while3A_202 step %while3A_208  : i32 {
          %mul3A_215 = arith.constant 16 : i32
          %mul3A_216 = arith.muli %while3A_214, %mul3A_215 : i32
          %add3A_217 = arith.addi %sub3A_135, %mul3A_216 : i32
          %get3A = arith.index_cast %add3A_217 : i32 to index
          %get3A_218 = tpu.vector_load %arg5[%get3A] {strides = array<i32>} : memref<10272xf32, #tpu.memory_space<vmem>>, vector<16xf32>,
          %get3A_219 = vector.shape_cast %get3A_218 : vector<16xf32> to vector<16xf32>
          %add3A_220 = arith.addi %while3A_98, %mul3A_216 : i32
          %get3A_221 = arith.index_cast %add3A_220 : i32 to index
          %get3A_222 = tpu.vector_load %arg4[%get3A_221] {strides = array<i32>} : memref<8224xf32, #tpu.memory_space<vmem>>, vector<16xf32>,
          %get3A_223 = vector.shape_cast %get3A_222 : vector<16xf32> to vector<16xf32>
          %sub3A_224 = arith.subi %min3A, %mul3A_216 : i32
          %lt3A = vector.broadcast %sub3A_224 : i32 to vector<16xi32>
          %lt3A_225 = arith.cmpi slt, %iota3A, %lt3A : vector<16xi32>
          %select_n3A_226 = arith.select %lt3A_225, %get3A_219, %get3A_223 : vector<16xi1>, vector<16xf32>
          %add3A_227 = arith.addi %while3A_98, %mul3A_216 : i32
          %swap3A = arith.index_cast %add3A_227 : i32 to index
          %swap3A_228 = tpu.vector_load %arg4[%swap3A] {strides = array<i32>} : memref<8224xf32, #tpu.memory_space<vmem>>, vector<16xf32>,
          %swap3A_229 = vector.shape_cast %swap3A_228 : vector<16xf32> to vector<16xf32>
          %swap3A_230 = vector.shape_cast %select_n3A_226 : vector<16xf32> to vector<16xf32>
          tpu.vector_store %arg4[%swap3A], %swap3A_230 {strides = array<i32>} : memref<8224xf32, #tpu.memory_space<vmem>>, vector<16xf32>,
        }
        %add3A_209 = arith.constant 1 : i32
        %add3A_210 = arith.addi %while3A_96, %add3A_209 : i32
        %add3A_211 = arith.constant 1 : i32
        %add3A_212 = arith.addi %while3A_96, %add3A_211 : i32
        %add3A_213 = arith.addi %while3A_98, %min3A : i32
        scf.yield %add3A_210, %add3A_212, %add3A_213 : i32, i32, i32
      }
      %while3A_91 = arith.constant 1 : i32
      %while3A_92:3 = scf.for %while3A_95 = %while3A_88 to %while3A_84 step %while3A_91 iter_args(%while3A_96 = %while3A_90#0, %while3A_97 = %while3A_90#1, %while3A_98 = %while3A_90#2) -> (i32, i32, i32)  : i32 {
        %sub3A_99 = arith.constant 8192 : i32
        %sub3A_100 = arith.subi %sub3A_99, %while3A_97 : i32
        %add3A_101 = arith.constant 1 : i32
        %add3A_102 = arith.addi %add3A_9, %add3A_101 : i32
        %sub3A_103 = arith.subi %add3A_102, %while3A_98 : i32
        %min3A = arith.minsi %sub3A_100, %sub3A_103 : i32
        %mul3A_104 = arith.constant 8192 : i32
        %mul3A_105 = arith.muli %while3A_96, %mul3A_104 : i32
        %add3A_106 = arith.addi %mul3A_105, %while3A_97 : i32
        %jit3A_107 = arith.constant 8 : i32
        %div3A_108 = arith.divsi %add3A_106, %jit3A_107 : i32
        %sign3A_109 = arith.constant 0 : i32
        %sign3A_110 = arith.cmpi sgt, %add3A_106, %sign3A_109 : i32
        %sign3A_111 = arith.extui %sign3A_110 : i1 to i32
        %sign3A_112 = arith.constant 0 : i32
        %sign3A_113 = arith.cmpi slt, %add3A_106, %sign3A_112 : i32
        %sign3A_114 = arith.extui %sign3A_113 : i1 to i32
        %sign3A_115 = arith.subi %sign3A_111, %sign3A_114 : i32
        %sign3A_116 = arith.constant 0 : i32
        %sign3A_117 = arith.cmpi sgt, %jit3A_107, %sign3A_116 : i32
        %sign3A_118 = arith.extui %sign3A_117 : i1 to i32
        %sign3A_119 = arith.constant 0 : i32
        %sign3A_120 = arith.cmpi slt, %jit3A_107, %sign3A_119 : i32
        %sign3A_121 = arith.extui %sign3A_120 : i1 to i32
        %sign3A_122 = arith.subi %sign3A_118, %sign3A_121 : i32
        %ne3A_123 = arith.cmpi ne, %sign3A_115, %sign3A_122 : i32
        %rem3A_124 = arith.remsi %add3A_106, %jit3A_107 : i32
        %ne3A_125 = arith.constant 0 : i32
        %ne3A_126 = arith.cmpi ne, %rem3A_124, %ne3A_125 : i32
        %and3A_127 = arith.andi %ne3A_123, %ne3A_126 : i1
        %sub3A_128 = arith.constant 1 : i32
        %sub3A_129 = arith.subi %div3A_108, %sub3A_128 : i32
        %select_n3A_130 = arith.select %and3A_127, %sub3A_129, %div3A_108 : i32
        %mul3A_131 = arith.constant 8 : i32
        %mul3A_132 = arith.muli %select_n3A_130, %mul3A_131 : i32
        %min3A_133 = arith.constant 67106816 : i32
        %min3A_134 = arith.minsi %mul3A_132, %min3A_133 : i32
        %sub3A_135 = arith.subi %add3A_106, %min3A_134 : i32
        %add3A_136 = arith.addi %sub3A_135, %min3A : i32
        %add3A_137 = arith.constant 2047 : i32
        %add3A_138 = arith.addi %add3A_136, %add3A_137 : i32
        %jit3A_139 = arith.constant 2048 : i32
        %div3A_140 = arith.divsi %add3A_138, %jit3A_139 : i32
        %sign3A_141 = arith.constant 0 : i32
        %sign3A_142 = arith.cmpi sgt, %add3A_138, %sign3A_141 : i32
        %sign3A_143 = arith.extui %sign3A_142 : i1 to i32
        %sign3A_144 = arith.constant 0 : i32
        %sign3A_145 = arith.cmpi slt, %add3A_138, %sign3A_144 : i32
        %sign3A_146 = arith.extui %sign3A_145 : i1 to i32
        %sign3A_147 = arith.subi %sign3A_143, %sign3A_146 : i32
        %sign3A_148 = arith.constant 0 : i32
        %sign3A_149 = arith.cmpi sgt, %jit3A_139, %sign3A_148 : i32
        %sign3A_150 = arith.extui %sign3A_149 : i1 to i32
        %sign3A_151 = arith.constant 0 : i32
        %sign3A_152 = arith.cmpi slt, %jit3A_139, %sign3A_151 : i32
        %sign3A_153 = arith.extui %sign3A_152 : i1 to i32
        %sign3A_154 = arith.subi %sign3A_150, %sign3A_153 : i32
        %ne3A_155 = arith.cmpi ne, %sign3A_147, %sign3A_154 : i32
        %rem3A_156 = arith.remsi %add3A_138, %jit3A_139 : i32
        %ne3A_157 = arith.constant 0 : i32
        %ne3A_158 = arith.cmpi ne, %rem3A_156, %ne3A_157 : i32
        %and3A_159 = arith.andi %ne3A_155, %ne3A_158 : i1
        %sub3A_160 = arith.constant 1 : i32
        %sub3A_161 = arith.subi %div3A_140, %sub3A_160 : i32
        %select_n3A_162 = arith.select %and3A_159, %sub3A_161, %div3A_140 : i32
        %while3A_163 = arith.constant 0 : i32
        %while3A_164 = arith.constant 0 : i32
        %while3A_165 = arith.subi %select_n3A_162, %while3A_164 : i32
        %while3A_166 = arith.addi %while3A_164, %while3A_165 : i32
        %while3A_167 = arith.constant 1 : i32
        %while3A_168 = arith.divsi %while3A_165, %while3A_167 : i32
        %while3A_169 = arith.muli %while3A_168, %while3A_167 : i32
        %while3A_170 = arith.addi %while3A_164, %while3A_169 : i32
        %while3A_171 = arith.constant 1 : i32
        scf.for %while3A_214 = %while3A_164 to %while3A_170 step %while3A_171  : i32 {
          %mul3A_215 = arith.constant 2048 : i32
          %mul3A_216 = arith.muli %while3A_214, %mul3A_215 : i32
          %add3A_217 = arith.addi %min3A_134, %mul3A_216 : i32
          %mul3A_218 = arith.constant 2048 : i32
          %mul3A_219 = arith.muli %while3A_214, %mul3A_218 : i32
          "tpu.region"() ({
            %run_scoped3A = tpu.sem_alloc : memref<!tpu.dma_semaphore, #tpu.memory_space<semaphore_mem>>
            %dma_start3A = tpu.memref_slice %arg5[%mul3A_219] : memref<10272xf32, #tpu.memory_space<vmem>> -> memref<2048xf32, #tpu.memory_space<vmem>>
            %dma_start3A_220 = tpu.memref_slice %arg2[%add3A_217] : memref<67108864xf32, #tpu.memory_space<hbm>> -> memref<2048xf32, #tpu.memory_space<hbm>>
            %dma_start3A_221 = tpu.memref_slice %arg5[%mul3A_219] : memref<10272xf32, #tpu.memory_space<vmem>> -> memref<2048xf32, #tpu.memory_space<vmem>>
            %dma_start3A_222 = tpu.memref_slice %arg2[%add3A_217] : memref<67108864xf32, #tpu.memory_space<hbm>> -> memref<2048xf32, #tpu.memory_space<hbm>>
            tpu.enqueue_dma source(%dma_start3A_222 : memref<2048xf32, #tpu.memory_space<hbm>>) target(%dma_start3A_221 : memref<2048xf32, #tpu.memory_space<vmem>>) target_semaphore(%run_scoped3A : memref<!tpu.dma_semaphore, #tpu.memory_space<semaphore_mem>>)
            %dma_wait3A = tpu.memref_slice %arg5[%mul3A_219] : memref<10272xf32, #tpu.memory_space<vmem>> -> memref<2048xf32, #tpu.memory_space<vmem>>
            %dma_wait3A_223 = tpu.memref_slice %arg2[%add3A_217] : memref<67108864xf32, #tpu.memory_space<hbm>> -> memref<2048xf32, #tpu.memory_space<hbm>>
            %dma_wait3A_224 = tpu.memref_slice %arg5[%mul3A_219] : memref<10272xf32, #tpu.memory_space<vmem>> -> memref<2048xf32, #tpu.memory_space<vmem>>
            %dma_wait3A_225 = tpu.memref_slice %arg2[%add3A_217] : memref<67108864xf32, #tpu.memory_space<hbm>> -> memref<2048xf32, #tpu.memory_space<hbm>>
            tpu.wait_dma2 semaphore(%run_scoped3A : memref<!tpu.dma_semaphore, #tpu.memory_space<semaphore_mem>>) src(%dma_wait3A_225 : memref<2048xf32, #tpu.memory_space<hbm>>) dst(%dma_wait3A_224 : memref<2048xf32, #tpu.memory_space<vmem>>)
            tpu.yield
          }) : () -> ()
        }
        %while3A_172 = arith.constant 1 : i32
        scf.for %while3A_214 = %while3A_170 to %while3A_166 step %while3A_172  : i32 {
          %mul3A_215 = arith.constant 2048 : i32
          %mul3A_216 = arith.muli %while3A_214, %mul3A_215 : i32
          %add3A_217 = arith.addi %min3A_134, %mul3A_216 : i32
          %mul3A_218 = arith.constant 2048 : i32
          %mul3A_219 = arith.muli %while3A_214, %mul3A_218 : i32
          "tpu.region"() ({
            %run_scoped3A = tpu.sem_alloc : memref<!tpu.dma_semaphore, #tpu.memory_space<semaphore_mem>>
            %dma_start3A = tpu.memref_slice %arg5[%mul3A_219] : memref<10272xf32, #tpu.memory_space<vmem>> -> memref<2048xf32, #tpu.memory_space<vmem>>
            %dma_start3A_220 = tpu.memref_slice %arg2[%add3A_217] : memref<67108864xf32, #tpu.memory_space<hbm>> -> memref<2048xf32, #tpu.memory_space<hbm>>
            %dma_start3A_221 = tpu.memref_slice %arg5[%mul3A_219] : memref<10272xf32, #tpu.memory_space<vmem>> -> memref<2048xf32, #tpu.memory_space<vmem>>
            %dma_start3A_222 = tpu.memref_slice %arg2[%add3A_217] : memref<67108864xf32, #tpu.memory_space<hbm>> -> memref<2048xf32, #tpu.memory_space<hbm>>
            tpu.enqueue_dma source(%dma_start3A_222 : memref<2048xf32, #tpu.memory_space<hbm>>) target(%dma_start3A_221 : memref<2048xf32, #tpu.memory_space<vmem>>) target_semaphore(%run_scoped3A : memref<!tpu.dma_semaphore, #tpu.memory_space<semaphore_mem>>)
            %dma_wait3A = tpu.memref_slice %arg5[%mul3A_219] : memref<10272xf32, #tpu.memory_space<vmem>> -> memref<2048xf32, #tpu.memory_space<vmem>>
            %dma_wait3A_223 = tpu.memref_slice %arg2[%add3A_217] : memref<67108864xf32, #tpu.memory_space<hbm>> -> memref<2048xf32, #tpu.memory_space<hbm>>
            %dma_wait3A_224 = tpu.memref_slice %arg5[%mul3A_219] : memref<10272xf32, #tpu.memory_space<vmem>> -> memref<2048xf32, #tpu.memory_space<vmem>>
            %dma_wait3A_225 = tpu.memref_slice %arg2[%add3A_217] : memref<67108864xf32, #tpu.memory_space<hbm>> -> memref<2048xf32, #tpu.memory_space<hbm>>
            tpu.wait_dma2 semaphore(%run_scoped3A : memref<!tpu.dma_semaphore, #tpu.memory_space<semaphore_mem>>) src(%dma_wait3A_225 : memref<2048xf32, #tpu.memory_space<hbm>>) dst(%dma_wait3A_224 : memref<2048xf32, #tpu.memory_space<vmem>>)
            tpu.yield
          }) : () -> ()
        }
        %add3A_173 = arith.constant 15 : i32
        %add3A_174 = arith.addi %min3A, %add3A_173 : i32
        %jit3A_175 = arith.constant 16 : i32
        %div3A_176 = arith.divsi %add3A_174, %jit3A_175 : i32
        %sign3A_177 = arith.constant 0 : i32
        %sign3A_178 = arith.cmpi sgt, %add3A_174, %sign3A_177 : i32
        %sign3A_179 = arith.extui %sign3A_178 : i1 to i32
        %sign3A_180 = arith.constant 0 : i32
        %sign3A_181 = arith.cmpi slt, %add3A_174, %sign3A_180 : i32
        %sign3A_182 = arith.extui %sign3A_181 : i1 to i32
        %sign3A_183 = arith.subi %sign3A_179, %sign3A_182 : i32
        %sign3A_184 = arith.constant 0 : i32
        %sign3A_185 = arith.cmpi sgt, %jit3A_175, %sign3A_184 : i32
        %sign3A_186 = arith.extui %sign3A_185 : i1 to i32
        %sign3A_187 = arith.constant 0 : i32
        %sign3A_188 = arith.cmpi slt, %jit3A_175, %sign3A_187 : i32
        %sign3A_189 = arith.extui %sign3A_188 : i1 to i32
        %sign3A_190 = arith.subi %sign3A_186, %sign3A_189 : i32
        %ne3A_191 = arith.cmpi ne, %sign3A_183, %sign3A_190 : i32
        %rem3A_192 = arith.remsi %add3A_174, %jit3A_175 : i32
        %ne3A_193 = arith.constant 0 : i32
        %ne3A_194 = arith.cmpi ne, %rem3A_192, %ne3A_193 : i32
        %and3A_195 = arith.andi %ne3A_191, %ne3A_194 : i1
        %sub3A_196 = arith.constant 1 : i32
        %sub3A_197 = arith.subi %div3A_176, %sub3A_196 : i32
        %select_n3A_198 = arith.select %and3A_195, %sub3A_197, %div3A_176 : i32
        %iota3A = tpu.iota {dimensions = array<i32: 0>} : vector<16xi32>
        %while3A_199 = arith.constant 0 : i32
        %while3A_200 = arith.constant 0 : i32
        %while3A_201 = arith.subi %select_n3A_198, %while3A_200 : i32
        %while3A_202 = arith.addi %while3A_200, %while3A_201 : i32
        %while3A_203 = arith.constant 1 : i32
        %while3A_204 = arith.divsi %while3A_201, %while3A_203 : i32
        %while3A_205 = arith.muli %while3A_204, %while3A_203 : i32
        %while3A_206 = arith.addi %while3A_200, %while3A_205 : i32
        %while3A_207 = arith.constant 1 : i32
        scf.for %while3A_214 = %while3A_200 to %while3A_206 step %while3A_207  : i32 {
          %mul3A_215 = arith.constant 16 : i32
          %mul3A_216 = arith.muli %while3A_214, %mul3A_215 : i32
          %add3A_217 = arith.addi %sub3A_135, %mul3A_216 : i32
          %get3A = arith.index_cast %add3A_217 : i32 to index
          %get3A_218 = tpu.vector_load %arg5[%get3A] {strides = array<i32>} : memref<10272xf32, #tpu.memory_space<vmem>>, vector<16xf32>,
          %get3A_219 = vector.shape_cast %get3A_218 : vector<16xf32> to vector<16xf32>
          %add3A_220 = arith.addi %while3A_98, %mul3A_216 : i32
          %get3A_221 = arith.index_cast %add3A_220 : i32 to index
          %get3A_222 = tpu.vector_load %arg4[%get3A_221] {strides = array<i32>} : memref<8224xf32, #tpu.memory_space<vmem>>, vector<16xf32>,
          %get3A_223 = vector.shape_cast %get3A_222 : vector<16xf32> to vector<16xf32>
          %sub3A_224 = arith.subi %min3A, %mul3A_216 : i32
          %lt3A = vector.broadcast %sub3A_224 : i32 to vector<16xi32>
          %lt3A_225 = arith.cmpi slt, %iota3A, %lt3A : vector<16xi32>
          %select_n3A_226 = arith.select %lt3A_225, %get3A_219, %get3A_223 : vector<16xi1>, vector<16xf32>
          %add3A_227 = arith.addi %while3A_98, %mul3A_216 : i32
          %swap3A = arith.index_cast %add3A_227 : i32 to index
          %swap3A_228 = tpu.vector_load %arg4[%swap3A] {strides = array<i32>} : memref<8224xf32, #tpu.memory_space<vmem>>, vector<16xf32>,
          %swap3A_229 = vector.shape_cast %swap3A_228 : vector<16xf32> to vector<16xf32>
          %swap3A_230 = vector.shape_cast %select_n3A_226 : vector<16xf32> to vector<16xf32>
          tpu.vector_store %arg4[%swap3A], %swap3A_230 {strides = array<i32>} : memref<8224xf32, #tpu.memory_space<vmem>>, vector<16xf32>,
        }
        %while3A_208 = arith.constant 1 : i32
        scf.for %while3A_214 = %while3A_206 to %while3A_202 step %while3A_208  : i32 {
          %mul3A_215 = arith.constant 16 : i32
          %mul3A_216 = arith.muli %while3A_214, %mul3A_215 : i32
          %add3A_217 = arith.addi %sub3A_135, %mul3A_216 : i32
          %get3A = arith.index_cast %add3A_217 : i32 to index
          %get3A_218 = tpu.vector_load %arg5[%get3A] {strides = array<i32>} : memref<10272xf32, #tpu.memory_space<vmem>>, vector<16xf32>,
          %get3A_219 = vector.shape_cast %get3A_218 : vector<16xf32> to vector<16xf32>
          %add3A_220 = arith.addi %while3A_98, %mul3A_216 : i32
          %get3A_221 = arith.index_cast %add3A_220 : i32 to index
          %get3A_222 = tpu.vector_load %arg4[%get3A_221] {strides = array<i32>} : memref<8224xf32, #tpu.memory_space<vmem>>, vector<16xf32>,
          %get3A_223 = vector.shape_cast %get3A_222 : vector<16xf32> to vector<16xf32>
          %sub3A_224 = arith.subi %min3A, %mul3A_216 : i32
          %lt3A = vector.broadcast %sub3A_224 : i32 to vector<16xi32>
          %lt3A_225 = arith.cmpi slt, %iota3A, %lt3A : vector<16xi32>
          %select_n3A_226 = arith.select %lt3A_225, %get3A_219, %get3A_223 : vector<16xi1>, vector<16xf32>
          %add3A_227 = arith.addi %while3A_98, %mul3A_216 : i32
          %swap3A = arith.index_cast %add3A_227 : i32 to index
          %swap3A_228 = tpu.vector_load %arg4[%swap3A] {strides = array<i32>} : memref<8224xf32, #tpu.memory_space<vmem>>, vector<16xf32>,
          %swap3A_229 = vector.shape_cast %swap3A_228 : vector<16xf32> to vector<16xf32>
          %swap3A_230 = vector.shape_cast %select_n3A_226 : vector<16xf32> to vector<16xf32>
          tpu.vector_store %arg4[%swap3A], %swap3A_230 {strides = array<i32>} : memref<8224xf32, #tpu.memory_space<vmem>>, vector<16xf32>,
        }
        %add3A_209 = arith.constant 1 : i32
        %add3A_210 = arith.addi %while3A_96, %add3A_209 : i32
        %add3A_211 = arith.constant 1 : i32
        %add3A_212 = arith.addi %while3A_96, %add3A_211 : i32
        %add3A_213 = arith.addi %while3A_98, %min3A : i32
        scf.yield %add3A_210, %add3A_212, %add3A_213 : i32, i32, i32
      }
      %mul3A_93 = arith.constant 8192 : i32
      %mul3A_94 = arith.muli %add3A_9, %mul3A_93 : i32
      "tpu.region"() ({
        %run_scoped3A = tpu.sem_alloc : memref<!tpu.dma_semaphore, #tpu.memory_space<semaphore_mem>>
        %dma_start3A = arith.constant 0 : i32
        %dma_start3A_95 = tpu.memref_slice %arg4[%dma_start3A] : memref<8224xf32, #tpu.memory_space<vmem>> -> memref<8192xf32, #tpu.memory_space<vmem>>
        %dma_start3A_96 = tpu.memref_slice %arg3[%mul3A_94] : memref<67108864xf32, #tpu.memory_space<hbm>> -> memref<8192xf32, #tpu.memory_space<hbm>>
        %dma_start3A_97 = tpu.memref_slice %arg3[%mul3A_94] : memref<67108864xf32, #tpu.memory_space<hbm>> -> memref<8192xf32, #tpu.memory_space<hbm>>
        %dma_start3A_98 = arith.constant 0 : i32
        %dma_start3A_99 = tpu.memref_slice %arg4[%dma_start3A_98] : memref<8224xf32, #tpu.memory_space<vmem>> -> memref<8192xf32, #tpu.memory_space<vmem>>
        tpu.enqueue_dma source(%dma_start3A_99 : memref<8192xf32, #tpu.memory_space<vmem>>) target(%dma_start3A_97 : memref<8192xf32, #tpu.memory_space<hbm>>) target_semaphore(%run_scoped3A : memref<!tpu.dma_semaphore, #tpu.memory_space<semaphore_mem>>)
        %dma_wait3A = arith.constant 0 : i32
        %dma_wait3A_100 = tpu.memref_slice %arg4[%dma_wait3A] : memref<8224xf32, #tpu.memory_space<vmem>> -> memref<8192xf32, #tpu.memory_space<vmem>>
        %dma_wait3A_101 = tpu.memref_slice %arg3[%mul3A_94] : memref<67108864xf32, #tpu.memory_space<hbm>> -> memref<8192xf32, #tpu.memory_space<hbm>>
        %dma_wait3A_102 = tpu.memref_slice %arg3[%mul3A_94] : memref<67108864xf32, #tpu.memory_space<hbm>> -> memref<8192xf32, #tpu.memory_space<hbm>>
        %dma_wait3A_103 = arith.constant 0 : i32
        %dma_wait3A_104 = tpu.memref_slice %arg4[%dma_wait3A_103] : memref<8224xf32, #tpu.memory_space<vmem>> -> memref<8192xf32, #tpu.memory_space<vmem>>
        tpu.wait_dma2 semaphore(%run_scoped3A : memref<!tpu.dma_semaphore, #tpu.memory_space<semaphore_mem>>) src(%dma_wait3A_104 : memref<8192xf32, #tpu.memory_space<vmem>>) dst(%dma_wait3A_102 : memref<8192xf32, #tpu.memory_space<hbm>>)
        tpu.yield
      }) : () -> ()
    }
    %scan3A_5 = arith.constant 256 : i32
    return
  }
}

</mosaic_0001>

<sc_bundles>
// kernel: _sc_build.3.cloned.1.call-start
scs
__scs_entry_jumppad:
0x0: {  	(pc) =	sbr.rel $0x88, $3  }
0x1: {  	(tag) =	ssettag $0x0;
	lr =	simm.s32 $0x1  }
0x2: {  	[smem:$0x3FA0] =	sst lr;
	_ =	strace $0xD0000000  }
0x3: {  	_ = 	snop  }
0x4: {  	_ = 	snop  }
0x5: {  	_ = 	snop  }
0x6: {  	_ = 	snop  }
0x7: {  	_ = 	snop  }
__scs_overlays_trampoline_lowered:
0x8: {  	[smem:$0x3FAF] =	sst s0  }
0x9: {  	[smem:$0x3FB0] =	sst s1  }
0xa: {  	[smem:$0x3FB1] =	sst s2  }
0xb: {  	[smem:$0x3FB2] =	sst s3  }
0xc: {  	[smem:$0x3FB3] =	sst s4  }
0xd: {  	[smem:$0x3FB4] =	sst s5  }
0xe: {  	[smem:$0x3FB5] =	sst s6  }
0xf: {  	[smem:$0x3FB6] =	sst s7  }
0x10: {  	[smem:$0x3FB7] =	sst s8  }
0x11: {  	[smem:$0x3FB8] =	sst s9;
	s0 =	simm.s32 @!p0 $0x0  }
0x12: {  	s1 =	sld [smem:$0x3F9E];
	s0 =	simm.s32 @p0 $0x1  }
0x13: {  	[smem:$0x3FB9] =	sst s0;
	s0 =	simm.s32 @!p1 $0x0  }
0x14: {  	s2 =	sld [smem:$0x3F9D];
	s0 =	simm.s32 @p1 $0x1  }
0x15: {  	[smem:$0x3FBA] =	sst s0;
	s0 =	simm.s32 @!p2 $0x0  }
0x16: {  	s3 =	sld [smem:$0x3FDB];
	s0 =	simm.s32 @p2 $0x1  }
0x17: {  	s4 =	simm.s32 $0x1BF5;
	[smem:$0x3FBC] =	sst s0  }
0x18: {  	s0 =	sld [smem:$0x3F9F];
	_ =	swait.ge [sflag:s4], $0x0  }
0x19: {  	s7 =	sld [smem:$0x3FA0]  }
0x1a: {  	s8 =	sadd.s32 $0xFFFFE003, lr  }
0x1b: {  	s9 =	sadd.s32 $0xFFFFFEF7, lr;
	s5 =	simm.s32 $0xFFFFFFFF;
	p2 =	slt.u32 s8, $0xFFFFF086  }
0x1c: {  	p1 =	slt.u32 s9, $0xF7A;
	s5 =	simm.s32 @!p2 $0x0  }
0x1d: {  	s5 =	simm.s32 @p1 $0x1;
	p0 =	seq.s32 s7, s2  }
0x1e: {  	s7 =	smul.u32 @!p0 $0xF7A, s2;
	p2 =	seq.s32 @!p0 s5, $0x0  }
0x1f: {  	s9 =	smul.u32 $0xF7A, s1;
	s8 =	simm.s32 @!p0 $0x1BF5;
	p2 =	por !p2, p0  }
0x20: {  	[sflag:s8] =	ssyncset.s32 @!p0 $0xFFFFF086;
	s6 =	sadd.s32 @!p0 s3, s7;
	s7 =	simm.s32 @!p0 $0x108  }
0x21: {  	s3 =	sadd.s32 s3, s9;
	s6 =	sadd.s32 @!p0 $0x88, s6;
	s7 =	simm.s32 @p2 $0x1082  }
0x22: {  	[simem:s7], [sflag:s8] =	dma.local @!p0 [hbm:s6], $0xF7A  }
0x23: {  	s9 =	sor.u32 $0xD0000000, s2;
	s6 =	simm.s32 $0x108;
	_ =	swait.ge @!p0 [sflag:s8], $0x0  }
0x24: {  	s3 =	sadd.s32 $0x88, s3;
	s6 =	simm.s32 @!p1 $0x1082;
	[sflag:s4] =	ssyncset.s32 $0xFFFFF086  }
0x25: {  	[simem:s6], [sflag:s4] =	dma.local [hbm:s3], $0xF7A  }
0x26: {  	[smem:$0x3FA0] =	sst s1;
	(tag) =	ssettag s2;
	_ =	strace s9  }
0x27: {  	s1 =	sld [smem:$0x3FB0]  }
0x28: {  	s2 =	sld [smem:$0x3FB1]  }
0x29: {  	s4 =	sld [smem:$0x3FB3]  }
0x2a: {  	p0 =	seq.s32 s5, $0x0;
	s5 =	sld [smem:$0x3FB4]  }
0x2b: {  	s6 =	sld [smem:$0x3FB5]  }
0x2c: {  	s7 =	sld [smem:$0x3FB6]  }
0x2d: {  	s3 =	simm.s32 $0x108;
	s8 =	sld [smem:$0x3FB7]  }
0x2e: {  	s3 =	simm.s32 @!p0 $0x1082;
	s9 =	sld [smem:$0x3FB8]  }
0x2f: {  	lr =	sadd.s32 s0, s3;
	s0 =	sld [smem:$0x3FAF]  }
0x30: {  	s3 =	sld [smem:$0x3FB2]  }
0x31: {  	[smem:$0x3FBB] =	sst s10  }
0x32: {  	s10 =	sld [smem:$0x3FB9];
	_ =	sdelay $0x3  }
0x33: {  	p0 =	seq.s32 s10, $0x1;
	s10 =	sld [smem:$0x3FBB];
	_ =	sdelay $0x3  }
0x34: {  	[smem:$0x3FBB] =	sst s10  }
0x35: {  	s10 =	sld [smem:$0x3FBA];
	_ =	sdelay $0x3  }
0x36: {  	p1 =	seq.s32 s10, $0x1;
	s10 =	sld [smem:$0x3FBB];
	_ =	sdelay $0x3  }
0x37: {  	[smem:$0x3FBB] =	sst s10  }
0x38: {  	s10 =	sld [smem:$0x3FBC]  }
0x39: {  	_ = 	snop;
	(pc) =	sbr.ind lr, $3  }
0x3a: {  	_ = 	snop  }
0x3b: {  	_ = 	snop  }
0x3c: {  	p2 =	seq.s32 s10, $0x1;
	s10 =	sld [smem:$0x3FBB]  }
0x3d: {  	_ =	shalt  }
0x3e: {  	_ =	shalt  }
0x3f: {  	_ =	shalt  }
0x40: {  	_ =	shalt  }
0x41: {  	_ =	shalt  }
0x42: {  	_ =	shalt  }
0x43: {  	_ =	shalt  }
0x44: {  	_ =	shalt  }
0x45: {  	_ =	shalt  }
0x46: {  	_ =	shalt  }
0x47: {  	_ =	shalt  }
0x48: {  	_ =	shalt  }
0x49: {  	_ =	shalt  }
0x4a: {  	_ =	shalt  }
0x4b: {  	_ =	shalt  }
0x4c: {  	_ =	shalt  }
0x4d: {  	_ =	shalt  }
0x4e: {  	_ =	shalt  }
0x4f: {  	_ =	shalt  }
0x50: {  	_ =	shalt  }
0x51: {  	_ =	shalt  }
0x52: {  	_ =	shalt  }
0x53: {  	_ =	shalt  }
0x54: {  	_ =	shalt  }
0x55: {  	_ =	shalt  }
0x56: {  	_ =	shalt  }
0x57: {  	_ =	shalt  }
0x58: {  	_ =	shalt  }
0x59: {  	_ =	shalt  }
0x5a: {  	_ =	shalt  }
0x5b: {  	_ =	shalt  }
0x5c: {  	_ =	shalt  }
0x5d: {  	_ =	shalt  }
0x5e: {  	_ =	shalt  }
0x5f: {  	_ =	shalt  }
0x60: {  	_ =	shalt  }
0x61: {  	_ =	shalt  }
0x62: {  	_ =	shalt  }
0x63: {  	_ =	shalt  }
0x64: {  	_ =	shalt  }
0x65: {  	_ =	shalt  }
0x66: {  	_ =	shalt  }
0x67: {  	_ =	shalt  }
0x68: {  	_ =	shalt  }
0x69: {  	_ =	shalt  }
0x6a: {  	_ =	shalt  }
0x6b: {  	_ =	shalt  }
0x6c: {  	_ =	shalt  }
0x6d: {  	_ =	shalt  }
0x6e: {  	_ =	shalt  }
0x6f: {  	_ =	shalt  }
0x70: {  	_ =	shalt  }
0x71: {  	_ =	shalt  }
0x72: {  	_ =	shalt  }
0x73: {  	_ =	shalt  }
0x74: {  	_ =	shalt  }
0x75: {  	_ =	shalt  }
0x76: {  	_ =	shalt  }
0x77: {  	_ =	shalt  }
0x78: {  	_ =	shalt  }
0x79: {  	_ =	shalt  }
0x7a: {  	_ =	shalt  }
0x7b: {  	_ =	shalt  }
0x7c: {  	_ =	shalt  }
0x7d: {  	_ =	shalt  }
0x7e: {  	_ =	shalt  }
0x7f: {  	_ =	shalt  }
0x80: {  	_ =	shalt  }
0x81: {  	_ =	shalt  }
0x82: {  	_ =	shalt  }
0x83: {  	_ =	shalt  }
0x84: {  	_ =	shalt  }
0x85: {  	_ =	shalt  }
0x86: {  	_ =	shalt  }
0x87: {  	_ =	shalt  }
.Lfunc_end0:
.L_simem_size_0:
called_computation_lowered:
.L_overlay_start_0:
0x88: {  	s2 =	sld [smem:$0x3FD9]  }
0x89: {  	s3 =	sld [smem:$0x3FFE];
	_ =	sdelay $0x1  }
0x8a: {  	s1 =	srdreg.scid  }
0x8b: {  	s0 =	sand.u32 $0x1, s1  }
0x8c: {  	s18 =	sshll.u32 s0, $0xA;
	s2 =	sadd.s32 s3, s2  }
0x8d: {  	s2 =	sadd.s32 s2, s18  }
0x8e: {  	[smem:$0x3FC7] =	sst s2  }
0x8f: {  	_ = 	snop  }
0x90: {  	s2 =	sld [smem:$0x3FC9]  }
0x91: {  	s19 =	sld [smem:$0x3FD0];
	(tm) =	ssettm $0x1  }
0x92: {  	s4 =	sld [smem:$0x3FFB];
	_ =	sdelay $0x3  }
0x93: {  	_ =	strace s4  }
0x94: {  	s4 =	sld [smem:$0x3FFC];
	_ =	sdelay $0x3  }
0x95: {  	_ =	strace s4  }
0x96: {  	s4 =	sld [smem:$0x3FFD];
	_ =	sdelay $0x3  }
0x97: {  	_ =	strace s4  }
0x98: {  	_ =	strace $0x8FFFFFFF  }
0x99: {  	s20 =	sld [smem:$0x3FDB];
	_ =	sdelay $0x1  }
0x9a: {  	s5 =	simm.s32 $_scs_section_size  }
0x9b: {  	s6 =	simm.s32 $_size__tile_overlayer_lowered;
	s7 =	simm.s32 $_tile_overlayer_lowered  }
0x9c: {  	s23 =	simm.s32 $0x1BFF;
	s22 =	sshll.u32 s7, $0x1;
	s4 =	sadd.s32 s5, s20  }
0x9d: {  	s8 =	simm.s32 $0x0;
	s21 =	sshll.u32 s6, $0x1;
	s6 =	sadd.s32 s22, s4  }
0x9e: {  	[timem:s8], [sflag:s23] =	dma.local [hbm:s6], s21  }
0x9f: {  	_ =	swait.ge [sflag:s23], s21  }
0xa0: {  	s5 =	ssub.s32 $0x0, s21;
	[sflag:s23] =	ssyncset.done $0x0  }
0xa1: {  	[sflag:s23] =	ssyncadd.s32 s5;
	_ =	sdelay $0x1  }
0xa2: {  	s24 =	simm.s32 $0x1B8B  }
0xa3: {  	_ =	swait.ge [sflag:s24], $0x1  }
0xa4: {  	[sflag:s24] =	ssyncset.done $0x0  }
0xa5: {  	s25 =	simm.s32 $0x1B8E;
	[sflag:s24] =	ssyncadd.s32 $0xFFFFFFFF  }
0xa6: {  	s26 =	simm.s32 $execute0_lowered;
	[smem:$0x3FD2] =	sst s25  }
0xa7: {  	s5 =	sshll.u32 s26, $0x1;
	_ =	strace $0x80000046;
	[dreg:$0x1] =	wrdreg $0xFFFFFFFF  }
0xa8: {  	s28 =	simm.s32 $_size_execute0_lowered;
	s4 =	sadd.s32 s4, s5;
	[dreg:$0x0] =	wrdreg $0x0  }
0xa9: {  	s5 =	sshll.u32 s28, $0x1;
	[dreg:$0x2] =	wrdreg s4  }
0xaa: {  	[dreg:$0x3] =	wrdreg s5  }
0xab: {  	[dreg:$0x4] =	wrdreg $0xC0  }
0xac: {  	_ =	task [dreg:s8], $0x5FFFF  }
0xad: {  	[dreg:$0x1] =	wrdreg $0xFFFFFFFF  }
0xae: {  	[dreg:$0x0] =	wrdreg $0x60  }
0xaf: {  	[dreg:$0x2] =	wrdreg s2  }
0xb0: {  	[dreg:$0x3] =	wrdreg s19  }
0xb1: {  	[dreg:$0x4] =	wrdreg $0x9  }
0xb2: {  	_ =	task.clear_ibuf [dreg:s8], $0x5FFFF;
	_ =	strace $0x90000046  }
0xb3: {  	s29 =	simm.s32 $0x9;
	_ =	strace $0x80000048  }
0xb4: {  	_ =	swait.ge [sflag:s29], $0x1  }
0xb5: {  	[sflag:s29] =	ssyncadd.s32 $0xFFFFFFFF  }
0xb6: {  	_ =	strace $0x90000048  }
0xb7: {  	_ =	sfence  }
0xb8: {  	s30 =	sld [smem:$0x0];
	_ =	sdelay $0x2  }
0xb9: {  	s31 =	sshll.u32 s1, $0xD;
	s1 =	sshrl.u32 s1, $0x2  }
0xba: {  	s3 =	sand.u32 $0x4000, s31;
	s1 =	sadd.s32 s1, s30  }
0xbb: {  	s0 =	sor.u32 s3, s0;
	s1 =	sshll.u32 s1, $0x11  }
0xbc: {  	s0 =	sor.u32 s1, s0  }
0xbd: {  	s0 =	sadd.s32 $0x8F2B, s0  }
0xbe: {  	[sflag:s0] =	ssyncadd.remote.s32 $0x1  }
0xbf: {  	_ =	sfence.sel $0xFFFF  }
0xc0: {  	[dreg:$0x0] =	wrdreg $0xFFFFFFFF;
	(pc) =	sbr.abs _section_cstart, $3  }
0xc1: {  	[dreg:$0x1] =	wrdreg $0xFFFFFFFF  }
0xc2: {  	_ =	task.clear_ibuf [dreg:s8], $0x2FFFF;
	_ =	strace $0x9FFFFFFF  }
0xc3: {  	(tm) =	ssettm $0x7FFFFFFF  }
tec
execute0_lowered:
.L_overlay_start_1:
0x0: {  	(tag) =	ssettag $0x1  }
0x1: {  	s1 =	rddreg [dreg:$0x0];
	s0 =	srdreg.scid  }
0x2: {  	s2 =	rddreg [dreg:$0x1];
	s4 =	sand.u32 $0x1, s0  }
.Ltmp0:
0x3: {  	s5 =	simm.s32 $0x0;
	s6 =	ssub.s32 $0x2, s4;
	(pc) =	sbr.rel .LBB2_1-.Ltmp0, $4  }
0x4: {  	s3 =	stileid.u32;
	s9 =	simm.s32 $0x1;
	s7 =	sshrl.u32 s6, $0x1  }
0x5: {  	s0 =	rddreg [dreg:$0x2];
	s7 =	ssub.s32 s6, s7;
	s6 =	sshll.u32 s3, $0x1  }
0x6: {  	s10 =	simm.s32 $0x0;
	[smem:$0x7FF] =	sst s5;
	s8 =	sor.u32 s4, s6  }
0x7: {  	v0 =	vlaneseq.u32;
	_ =	strace $0x80000047;
	s7 =	smax.u32 s7, $0x1;
	s8 =	sadd.s32 $0x1, s8  }
.LBB2_21:
0x8: {  	s10 =	sadd.s32 $0x1, s10  }
0x9: {  	p0 =	sne.s32 s10, s7  }
.Ltmp1:
0xa: {  	_ = 	snop;
	(pc) =	sbr.rel @!p0 .LBB2_22-.Ltmp1, $1  }
0xb: {  	_ =	sdelay $0x3  }
.LBB2_1:
.Ltmp2:
0xc: {  	(pc) =	sbr.rel .LBB2_2-.Ltmp2, $2  }
0xd: {  	_ =	sdelay $0x2  }
0xe: {  	s11 =	smov.u32 s8;
	s12 =	simm.s32 $0x0  }
.LBB2_20:
0xf: {  	s12 =	sadd.s32 $0x1, s12  }
0x10: {  	p0 =	sne.s32 s12, $0x100  }
.Ltmp3:
0x11: {  	s13 =	sadd.s32 s2, s13;
	(pc) =	sbr.rel @!p0 .LBB2_21-.Ltmp3, $4  }
0x12: {  	[hbm4b:s13+s5] =	stream.linear.scatter [tilespmem:s5], [sflag:$0x1], $0x2000, $0x38;
	[tilespmem:$0x4900] =	vst v63  }
0x13: {  	_ =	swait.ge [sflag:s9], $0x2000  }
0x14: {  	[sflag:s9] =	ssyncset.done $0x0  }
0x15: {  	s11 =	sadd.s32 $0x20, s11;
	[sflag:s9] =	ssyncadd.s32 $0xFFFFE000  }
.LBB2_2:
0x16: {  	s13 =	sshll.u32 s12, $0x5  }
0x17: {  	s13 =	sor.u32 s13, s6  }
0x18: {  	s16 =	sor.u32 s4, s13  }
0x19: {  	s13 =	sshll.u32 s16, $0xA  }
0x1a: {  	s19 =	simm.s32 $0x0;
	s14 =	sadd.s32 s1, s13  }
0x1b: {  	[tilespmem:s19], [sflag:$0x1] =	stream.linear.gather [hbm4b:s14+s19], $0x2000, $0x38;
	[tilespmem:$0x4900] =	vst v63  }
0x1c: {  	s14 =	sadd.s32 $0x1, s16  }
0x1d: {  	_ =	swait.ge [sflag:s9], $0x2000;
	s15 =	smul.u32 s16, s14  }
0x1e: {  	s20 =	simm.s32 $0x2000;
	s18 =	simm.s32 $0xC;
	[sflag:s9] =	ssyncset.done $0x0  }
0x1f: {  	[sflag:s9] =	ssyncadd.s32 $0xFFFFE000;
	s17 =	sshrl.u32 s15, $0x1;
	s15 =	simm.s32 $0x2000  }
.LBB2_3:
0x20: {  	s21 =	smov.u32 s19  }
0x21: {  	p0 =	sne.s32 s18, $0x1;
	s19 =	sand.u32 $0x1, s20  }
0x22: {  	p1 =	slt.s32 s20, $0x1;
	p2 =	seq.s32 s19, $0x1  }
0x23: {  	s19 =	sshrl.u32 s20, $0x1F;
	p1 =	por !p1, !p2  }
0x24: {  	s19 =	sadd.s32 s19, s20;
	s20 =	simm.s32 $0x1;
	p1 =	por !p1, !p1  }
0x25: {  	s19 =	sshra.s32 s19, $0x1;
	s20 =	simm.s32 @!p1 $0x0  }
0x26: {  	s20 =	ssub.s32 s19, s20  }
0x27: {  	s19 =	sadd.s32 $0xFFFFFFFF, s20  }
0x28: {  	s19 =	smul.u32 s20, s19;
	_ =	sdelay $0x1  }
0x29: {  	s22 =	sand.u32 $0x1, s19  }
0x2a: {  	s23 =	sshrl.u32 s19, $0x1F;
	p1 =	slt.s32 s19, $0x1;
	p2 =	seq.s32 s22, $0x1  }
0x2b: {  	s19 =	sadd.s32 s23, s19;
	s22 =	sshll.u32 s20, $0xD;
	p1 =	por !p1, !p2  }
0x2c: {  	s23 =	simm.s32 $0x1;
	s19 =	sshra.s32 s19, $0x1;
	p1 =	por !p1, !p1  }
.Ltmp4:
0x2d: {  	s19 =	ssub.s32 s22, s19;
	s23 =	simm.s32 @!p1 $0x0;
	(pc) =	sbr.rel @p0 .LBB2_3-.Ltmp4, $4  }
0x2e: {  	s19 =	sadd.s32 s23, s19  }
0x2f: {  	p1 =	sgt.s32 s19, s17;
	s19 =	smov.u32 s20  }
0x30: {  	s19 =	smov.u32 @p1 s21;
	s15 =	smov.u32 @p1 s20  }
0x31: {  	s18 =	sadd.s32 $0xFFFFFFFF, s18;
	s20 =	sadd.s32 s19, s15  }
0x32: {  	s15 =	sand.u32 $0x1, s20  }
0x33: {  	p0 =	slt.s32 s20, $0x1;
	p1 =	seq.s32 s15, $0x1  }
0x34: {  	s29 =	sshrl.u32 s20, $0x1F;
	p0 =	por !p0, !p1  }
0x35: {  	s18 =	simm.s32 $0x1;
	s15 =	sadd.s32 s29, s20;
	p0 =	por !p0, !p0  }
0x36: {  	s15 =	sshra.s32 s15, $0x1;
	s18 =	simm.s32 @!p0 $0x0  }
0x37: {  	s15 =	ssub.s32 s15, s18  }
0x38: {  	s18 =	sadd.s32 $0xFFFFFFFF, s15  }
0x39: {  	s18 =	smul.u32 s15, s18;
	_ =	sdelay $0x1  }
0x3a: {  	s30 =	sand.u32 $0x1, s18  }
0x3b: {  	s21 =	sshrl.u32 s18, $0x1F;
	p5 =	slt.s32 s18, $0x1;
	p6 =	seq.s32 s30, $0x1  }
0x3c: {  	s31 =	sshll.u32 s15, $0xD;
	s18 =	sadd.s32 s21, s18;
	p0 =	por !p5, !p6  }
0x3d: {  	s21 =	simm.s32 $0x1;
	s18 =	sshra.s32 s18, $0x1;
	p0 =	por !p0, !p0  }
0x3e: {  	s18 =	ssub.s32 s31, s18;
	s21 =	simm.s32 @!p0 $0x0  }
0x3f: {  	s16 =	sadd.s32 s16, s17;
	s18 =	sadd.s32 s21, s18  }
0x40: {  	s20 =	simm.s32 $0x0;
	s21 =	simm.s32 $0x2000;
	p0 =	sgt.s32 s18, s17  }
0x41: {  	s18 =	simm.s32 $0x2000;
	s15 =	smov.u32 @p0 s19;
	s19 =	simm.s32 $0xC  }
.LBB2_5:
0x42: {  	s22 =	smov.u32 s20  }
0x43: {  	p0 =	sne.s32 s19, $0x1;
	s20 =	sand.u32 $0x1, s21  }
0x44: {  	p1 =	slt.s32 s21, $0x1;
	p2 =	seq.s32 s20, $0x1  }
0x45: {  	s20 =	sshrl.u32 s21, $0x1F;
	p1 =	por !p1, !p2  }
0x46: {  	s20 =	sadd.s32 s20, s21;
	s21 =	simm.s32 $0x1;
	p1 =	por !p1, !p1  }
0x47: {  	s20 =	sshra.s32 s20, $0x1;
	s21 =	simm.s32 @!p1 $0x0  }
0x48: {  	s21 =	ssub.s32 s20, s21  }
0x49: {  	s20 =	sadd.s32 $0xFFFFFFFF, s21  }
0x4a: {  	s20 =	smul.u32 s21, s20;
	_ =	sdelay $0x1  }
0x4b: {  	s23 =	sand.u32 $0x1, s20  }
0x4c: {  	s24 =	sshrl.u32 s20, $0x1F;
	p1 =	slt.s32 s20, $0x1;
	p2 =	seq.s32 s23, $0x1  }
0x4d: {  	s20 =	sadd.s32 s24, s20;
	s23 =	sshll.u32 s21, $0xD;
	p1 =	por !p1, !p2  }
0x4e: {  	s24 =	simm.s32 $0x1;
	s20 =	sshra.s32 s20, $0x1;
	p1 =	por !p1, !p1  }
.Ltmp5:
0x4f: {  	s20 =	ssub.s32 s23, s20;
	s24 =	simm.s32 @!p1 $0x0;
	(pc) =	sbr.rel @p0 .LBB2_5-.Ltmp5, $4  }
0x50: {  	s20 =	sadd.s32 s24, s20  }
0x51: {  	p1 =	sgt.s32 s20, s16;
	s20 =	smov.u32 s21  }
0x52: {  	s20 =	smov.u32 @p1 s22;
	s18 =	smov.u32 @p1 s21  }
0x53: {  	s19 =	sadd.s32 $0xFFFFFFFF, s19;
	s21 =	sadd.s32 s20, s18  }
0x54: {  	s18 =	sand.u32 $0x1, s21  }
0x55: {  	p0 =	slt.s32 s21, $0x1;
	p1 =	seq.s32 s18, $0x1  }
0x56: {  	s29 =	sshrl.u32 s21, $0x1F;
	p0 =	por !p0, !p1  }
0x57: {  	s19 =	simm.s32 $0x1;
	s18 =	sadd.s32 s29, s21;
	p0 =	por !p0, !p0  }
0x58: {  	s18 =	sshra.s32 s18, $0x1;
	s19 =	simm.s32 @!p0 $0x0  }
0x59: {  	s18 =	ssub.s32 s18, s19  }
0x5a: {  	s19 =	sadd.s32 $0xFFFFFFFF, s18  }
0x5b: {  	s19 =	smul.u32 s18, s19;
	_ =	sdelay $0x1  }
0x5c: {  	s30 =	sand.u32 $0x1, s19  }
0x5d: {  	s22 =	sshrl.u32 s19, $0x1F;
	p5 =	slt.s32 s19, $0x1;
	p6 =	seq.s32 s30, $0x1  }
0x5e: {  	s31 =	sshll.u32 s18, $0xD;
	s19 =	sadd.s32 s22, s19;
	p0 =	por !p5, !p6  }
0x5f: {  	s22 =	simm.s32 $0x1;
	s19 =	sshra.s32 s19, $0x1;
	p0 =	por !p0, !p0  }
0x60: {  	s19 =	ssub.s32 s31, s19;
	s22 =	simm.s32 @!p0 $0x0  }
0x61: {  	s19 =	sadd.s32 s22, s19  }
0x62: {  	p0 =	sgt.s32 s19, s16  }
0x63: {  	s18 =	smov.u32 @p0 s20  }
0x64: {  	s16 =	ssub.s32 s18, s15  }
0x65: {  	p0 =	sgt.u32 s16, $0x7FFFFFFE  }
.Ltmp6:
0x66: {  	_ = 	snop;
	(pc) =	sbr.rel @p0 .LBB2_20-.Ltmp6, $1  }
0x67: {  	_ =	sdelay $0x3  }
0x68: {  	s18 =	sadd.s32 $0xFFFFFFFF, s15  }
0x69: {  	s18 =	smul.u32 s15, s18  }
0x6a: {  	s19 =	sadd.s32 s17, s15  }
0x6b: {  	s17 =	sshll.u32 s15, $0xD;
	s20 =	sand.u32 $0x1, s18;
	s31 =	sshrl.u32 s18, $0x1F  }
.Ltmp7:
0x6c: {  	p1 =	slt.s32 s18, $0x1;
	p0 =	seq.s32 s20, $0x1;
	(pc) =	sbr.rel .LBB2_8-.Ltmp7, $4  }
0x6d: {  	s19 =	ssub.s32 s19, s17;
	s18 =	sadd.s32 s31, s18;
	p0 =	por !p1, !p0  }
0x6e: {  	s20 =	simm.s32 $0x1;
	s18 =	sshra.s32 s18, $0x1;
	p0 =	por !p0, !p0  }
0x6f: {  	s18 =	sadd.s32 s18, s19;
	s20 =	simm.s32 @!p0 $0x0  }
0x70: {  	s19 =	simm.s32 $0x0;
	s22 =	ssub.s32 s18, s20;
	s18 =	simm.s32 $0x0  }
.LBB2_14:
0x71: {  	s23 =	smov.u32 s21;
	s22 =	smov.u32 s18  }
.LBB2_18:
0x72: {  	s23 =	sadd.s32 @p0 $0xFFFFFFF0, s23  }
0x73: {  	s21 =	smov.u32 @p0 s23  }
0x74: {  	v3 =	vmov s21  }
0x75: {  	vm0 =	vgt.s32 v3, v0  }
0x76: {  	v1 =	vsel vm0, v2, v1  }
0x77: {  	[tilespmem:s22+$0x0] =	vst v1  }
.LBB2_19:
0x78: {  	p0 =	sne.s32 s19, s16  }
.Ltmp8:
0x79: {  	_ = 	snop;
	(pc) =	sbr.rel @!p0 .LBB2_20-.Ltmp8, $3  }
0x7a: {  	_ =	sdelay $0x1  }
0x7b: {  	s22 =	sadd.s32 $0x1, s15;
	s21 =	sadd.s32 $0x1, s19;
	s18 =	sadd.s32 s18, s20  }
0x7c: {  	s17 =	sadd.s32 $0x2000, s17;
	s15 =	smov.u32 s22;
	s19 =	smov.u32 s21  }
.LBB2_8:
0x7d: {  	s20 =	sshll.u32 s15, $0xD  }
0x7e: {  	s29 =	sand.u32 $0x7, s22;
	s24 =	sadd.s32 s22, s20  }
0x7f: {  	p1 =	sne.s32 s29, $0x0;
	s21 =	sshra.s32 s24, $0x1F;
	p0 =	slt.s32 s24, $0x1  }
0x80: {  	s30 =	sshrl.u32 s21, $0x1D;
	p0 =	por !p0, !p1  }
0x81: {  	s21 =	simm.s32 $0x1;
	s20 =	sadd.s32 s30, s24;
	p0 =	por !p0, !p0  }
0x82: {  	s20 =	sshrl.u32 s20, $0x3;
	s21 =	simm.s32 @!p0 $0x0  }
0x83: {  	s20 =	ssub.s32 s20, s21  }
0x84: {  	s23 =	sshll.u32 s20, $0x3  }
0x85: {  	s21 =	ssub.s32 $0x2000, s22;
	s20 =	ssub.s32 s14, s18;
	p0 =	slt.s32 s23, $0x3FFF800  }
0x86: {  	p1 =	slt.s32 s21, s20;
	s23 =	simm.s32 @!p0 $0x3FFF800  }
0x87: {  	s20 =	smov.u32 @p1 s21;
	s24 =	ssub.s32 s24, s23  }
0x88: {  	s24 =	sadd.s32 s24, s20  }
0x89: {  	s24 =	sadd.s32 $0x7FF, s24  }
0x8a: {  	s25 =	sand.u32 $0x7FF, s24  }
0x8b: {  	s31 =	sshra.s32 s24, $0x1F;
	p6 =	slt.s32 s24, $0x1;
	p5 =	sne.s32 s25, $0x0  }
0x8c: {  	s25 =	sshrl.u32 s31, $0x15;
	p0 =	por !p6, !p5  }
0x8d: {  	s24 =	sadd.s32 s25, s24;
	s25 =	simm.s32 $0x1;
	p0 =	por !p0, !p0  }
0x8e: {  	s24 =	sshra.s32 s24, $0xB;
	s25 =	simm.s32 @!p0 $0x0  }
0x8f: {  	s25 =	ssub.s32 s24, s25  }
0x90: {  	p0 =	slt.s32 s25, $0x1  }
.Ltmp9:
0x91: {  	_ = 	snop;
	(pc) =	sbr.rel @p0 .LBB2_12-.Ltmp9, $2  }
0x92: {  	_ =	sdelay $0x2  }
0x93: {  	s24 =	simm.s32 $0x2080  }
0x94: {  	p0 =	sne.s32 s25, $0x1  }
.Ltmp10:
0x95: {  	_ = 	snop;
	(pc) =	sbr.rel @!p0 .LBB2_11-.Ltmp10, $4  }
0x96: {  	s26 =	sshrl.u32 s23, $0x3  }
0x97: {  	s26 =	sadd.s32 s1, s26  }
0x98: {  	[tilespmem:s24], [sflag:$0x1] =	stream.linear.gather [hbm4b:s26+s5], $0x800, $0x38;
	[tilespmem:$0x4900] =	vst v63  }
0x99: {  	s25 =	sadd.s32 $0xFFFFFFFF, s25;
	s26 =	sadd.s32 $0x800, s23;
	_ =	swait.ge [sflag:s9], $0x800  }
.LBB2_10:
0x9a: {  	s28 =	sshrl.u32 s26, $0x3  }
0x9b: {  	[sflag:s9] =	ssyncset.done $0x0;
	s24 =	sadd.s32 $0x800, s24;
	p0 =	sne.s32 s25, $0x1  }
.Ltmp11:
0x9c: {  	s28 =	sadd.s32 s1, s28;
	[sflag:s9] =	ssyncadd.s32 $0xFFFFF800;
	(pc) =	sbr.rel @p0 .LBB2_10-.Ltmp11, $3  }
0x9d: {  	[tilespmem:s24], [sflag:$0x1] =	stream.linear.gather [hbm4b:s28+s5], $0x800, $0x38;
	[tilespmem:$0x4900] =	vst v63  }
0x9e: {  	s25 =	sadd.s32 $0xFFFFFFFF, s25;
	_ =	sdelay $0x1  }
0x9f: {  	s26 =	sadd.s32 $0x800, s26;
	_ =	swait.ge [sflag:s9], $0x800  }
.LBB2_11:
0xa0: {  	[sflag:s9] =	ssyncset.done $0x0  }
0xa1: {  	[sflag:s9] =	ssyncadd.s32 $0xFFFFF800  }
.LBB2_12:
0xa2: {  	s24 =	sadd.s32 $0xF, s20  }
0xa3: {  	s25 =	sand.u32 $0xF, s24  }
0xa4: {  	s26 =	sshra.s32 s24, $0x1F;
	p0 =	slt.s32 s24, $0x1;
	p1 =	sne.s32 s25, $0x0  }
0xa5: {  	s31 =	sshrl.u32 s26, $0x1C;
	p0 =	por !p0, !p1  }
0xa6: {  	s25 =	simm.s32 $0x1;
	s24 =	sadd.s32 s31, s24;
	p0 =	por !p0, !p0  }
0xa7: {  	s24 =	sshra.s32 s24, $0x4;
	s25 =	simm.s32 @!p0 $0x0  }
0xa8: {  	s24 =	ssub.s32 s24, s25  }
0xa9: {  	p0 =	slt.s32 s24, $0x1  }
.Ltmp12:
0xaa: {  	_ = 	snop;
	(pc) =	sbr.rel @p0 .LBB2_19-.Ltmp12, $1  }
0xab: {  	_ =	sdelay $0x3  }
0xac: {  	s22 =	sadd.s32 s17, s22;
	p1 =	sne.s32 s24, $0x1  }
.Ltmp13:
0xad: {  	s22 =	ssub.s32 s22, s23;
	(pc) =	sbr.rel @!p1 .LBB2_14-.Ltmp13, $4  }
0xae: {  	s22 =	sshll.u32 s22, $0x2  }
0xaf: {  	s25 =	ssub.s32 s11, s18;
	s22 =	sshra.s32 s22, $0x2  }
0xb0: {  	v1 =	vld [tilespmem:s18+$0x0];
	p0 =	slt.s32 s25, s21;
	s23 =	sadd.s32 $0x2080, s22  }
0xb1: {  	s21 =	smov.u32 @p0 s25;
	s25 =	sadd.s32 $0xFFFFFFFF, s24;
	p0 =	por $0x0, $0x0;
	v2 =	vld [tilespmem:s23+$0x0]  }
0xb2: {  	_ =	sdelay $0x1  }
0xb3: {  	v3 =	vmov s21;
	p1 =	sne.s32 s25, $0x1  }
.Ltmp14:
0xb4: {  	vm0 =	vgt.s32 v3, v0;
	(pc) =	sbr.rel @!p1 .LBB2_16-.Ltmp14, $4  }
0xb5: {  	v1 =	vsel vm0, v2, v1  }
0xb6: {  	s22 =	sadd.s32 $0x10, s18;
	[tilespmem:s18+$0x0] =	vst v1  }
0xb7: {  	s24 =	sadd.s32 $0x10, s23;
	v1 =	vld [tilespmem:s22+$0x0]  }
0xb8: {  	s25 =	sadd.s32 $0xFFFFFFFF, s25;
	p0 =	por $0x1, $0x1;
	s23 =	smov.u32 s21;
	v2 =	vld [tilespmem:s24+$0x0]  }
.LBB2_17:
0xb9: {  	p1 =	sne.s32 s25, $0x1  }
0xba: {  	s23 =	sadd.s32 $0xFFFFFFF0, s23  }
0xbb: {  	v3 =	vmov s23  }
.Ltmp15:
0xbc: {  	vm0 =	vgt.s32 v3, v0;
	(pc) =	sbr.rel @p1 .LBB2_17-.Ltmp15, $4  }
0xbd: {  	v1 =	vsel vm0, v2, v1  }
0xbe: {  	[tilespmem:s22+$0x0] =	vst v1;
	s22 =	sadd.s32 $0x10, s22  }
0xbf: {  	s24 =	sadd.s32 $0x10, s24;
	v1 =	vld [tilespmem:s22+$0x0]  }
0xc0: {  	s25 =	sadd.s32 $0xFFFFFFFF, s25;
	v2 =	vld [tilespmem:s24+$0x0]  }
.Ltmp16:
0xc1: {  	_ = 	snop;
	(pc) =	sbr.rel .LBB2_18-.Ltmp16, $1  }
0xc2: {  	_ =	sdelay $0x3  }
.LBB2_16:
.Ltmp17:
0xc3: {  	(pc) =	sbr.rel .LBB2_18-.Ltmp17, $2  }
0xc4: {  	_ =	sdelay $0x2  }
0xc5: {  	s23 =	smov.u32 s21  }
.LBB2_22:
0xc6: {  	_ =	sfence.sel $0x180000  }
0xc7: {  	[bflag:$0x0] =	sbarrier.arrive $0xFFFF  }
0xc8: {  	p0 =	sne.s32 s3, $0x0;
	_ =	strace $0x90000047  }
0xc9: {  	s0 =	sadd.s32 @!p0 $0x100000, s0;
	[bflag:$0x2] =	sbarrier.arrive $0xFFFF  }
0xca: {  	[sflag:s0] =	ssyncadd.tile.s32 @!p0 $0x1;
	_ =	shalt  }
.Lfunc_end2:
_tile_overlayer_lowered:
.L_overlay_start_2:
0xcb: {  	(tag) =	ssettag $0x2  }
0xcc: {  	s0 =	rddreg [dreg:$0x0];
	s2 =	stileid.u32  }
0xcd: {  	s1 =	rddreg [dreg:$0x1];
	p0 =	sne.s32 s2, $0x0  }
0xce: {  	s3 =	rddreg [dreg:$0x2];
	[bflag:$0x3] =	sbarrier.arrive $0xFFFF;
	s2 =	simm.s32 @!p0 $0x1C01  }
0xcf: {  	[timem:s3], [sflag:s2] =	dma.local @!p0 [hbm:s0], s1  }
0xd0: {  	s0 =	simm.s32 @!p0 $0x1  }
0xd1: {  	_ =	swait.ge @!p0 [sflag:s0], s1  }
0xd2: {  	s1 =	ssub.s32 @!p0 $0x0, s1;
	[sflag:s0] =	ssyncset.done @!p0 $0x0  }
0xd3: {  	[sflag:s0] =	ssyncadd.s32 @!p0 s1  }
0xd4: {  	[bflag:$0x3] =	sbarrier.arrive $0xFFFF  }
0xd5: {  	_ =	shalt  }

</sc_bundles>
